<compile_context>
chip_gen: v7x
topology: tpu7x:2x2x1
jax: 0.10.2.dev20260603
libtpu: 0.0.44.dev20260713+nightly
codegen_flags: <defaults>
</compile_context>

<pallas_src>
import functools
import jax
import jax.numpy as jnp
from jax import lax
from jax.experimental import pallas as pl
from jax.experimental.pallas import tpu as pltpu
from jax.experimental.pallas import tpu_sc as plsc

N_WAY, N_SUPPORT, EMB = 20, 5, 128
B, NBOX = 16, 8732

NC, NS, L = 2, 16, 16
NW = NC * NS
SC_B0 = 8
QSTRIDE = 2184
CH = 168
NBUF = 2
NFULL = 12
TAILA = QSTRIDE - NFULL * CH
TAILB = 2176 - NFULL * CH


def _acc_rows(buf2d, nrows, acc):
    def inner(r4, a):
        for rr in range(4):
            a = tuple(a[c] + buf2d[r4 * 4 + rr, pl.ds(c * L, L)]
                      for c in range(8))
        return a
    return lax.fori_loop(0, nrows // 4, inner, acc)


def _sc_body(cls_hbm, out_hbm, buf, tbufa, tbufb, accbuf, *sems):
    w = lax.axis_index("s") * NC + lax.axis_index("c")
    b = SC_B0 + w // 4
    q = w % 4
    base = q * QSTRIDE
    sem_t = sems[NBUF]

    def dma_start(g, k):
        pltpu.make_async_copy(
            cls_hbm.at[b, pl.ds(base + g * CH, CH)], buf.at[k], sems[k]).start()

    def dma_wait(k):
        pltpu.make_async_copy(
            cls_hbm.at[b, pl.ds(0, CH)], buf.at[k], sems[k]).wait()

    @pl.when(q < 3)
    def _():
        pltpu.make_async_copy(
            cls_hbm.at[b, pl.ds(base + NFULL * CH, TAILA)], tbufa, sem_t).start()

    @pl.when(q == 3)
    def _():
        pltpu.make_async_copy(
            cls_hbm.at[b, pl.ds(base + NFULL * CH, TAILB)], tbufb, sem_t).start()

    for k in range(NBUF):
        dma_start(k, k)

    def outer(gq, acc):
        for kk in range(NBUF):
            g = gq * NBUF + kk
            dma_wait(kk)
            acc = _acc_rows(buf.at[kk], CH, acc)

            @pl.when(g + NBUF < NFULL)
            def _():
                dma_start(g + NBUF, kk)
        return acc

    zero = jnp.zeros((L,), jnp.float32)
    acc = lax.fori_loop(0, NFULL // NBUF, outer, (zero,) * 8)

    @pl.when(q < 3)
    def _():
        pltpu.make_async_copy(
            cls_hbm.at[b, pl.ds(0, TAILA)], tbufa, sem_t).wait()

    @pl.when(q == 3)
    def _():
        pltpu.make_async_copy(
            cls_hbm.at[b, pl.ds(0, TAILB)], tbufb, sem_t).wait()

    acca = _acc_rows(tbufa, TAILA, acc)
    accb = _acc_rows(tbufb, TAILB, acc)
    acc = tuple(jnp.where(q < 3, a1, a2) for a1, a2 in zip(acca, accb))

    for c in range(8):
        accbuf[pl.ds(c * L, L)] = acc[c]
    pltpu.sync_copy(accbuf, out_hbm.at[w])


def _sc_colsum(cls_preds):
    mesh = plsc.VectorSubcoreMesh(core_axis_name="c", subcore_axis_name="s")
    f = functools.partial(
        pl.kernel,
        mesh=mesh,
        out_type=jax.ShapeDtypeStruct((NW, EMB), jnp.float32),
        scratch_types=(
            [pltpu.VMEM((NBUF, CH, EMB), jnp.float32),
             pltpu.VMEM((TAILA, EMB), jnp.float32),
             pltpu.VMEM((TAILB, EMB), jnp.float32),
             pltpu.VMEM((EMB,), jnp.float32)]
            + [pltpu.SemaphoreType.DMA] * (NBUF + 1)
        ),
        compiler_params=pltpu.CompilerParams(use_tc_tiling_on_sc=True),
    )(_sc_body)
    return f(cls_preds)


def _tc_body(t_ref, cls_ref, out_ref, acc_vec, acc_smem):
    i = pl.program_id(0)

    @pl.when(i == 0)
    def _init():
        acc_vec[...] = jnp.zeros_like(acc_vec)
        acc_smem[0] = 0.0

    posf = (t_ref[0] > 0).astype(jnp.float32)
    acc_vec[...] += jax.lax.dot(posf, cls_ref[0])
    acc_smem[0] += jnp.sum(posf)

    @pl.when(i == pl.num_programs(0) - 1)
    def _fin():
        out_ref[...] = acc_vec[...] + acc_smem[0]


def _tc_part(cls_targets, cls_preds):
    t3 = cls_targets.reshape(B, 1, NBOX)
    return pl.pallas_call(
        _tc_body,
        grid=(SC_B0,),
        in_specs=[
            pl.BlockSpec((1, 1, NBOX), lambda i: (i, 0, 0)),
            pl.BlockSpec((1, NBOX, EMB), lambda i: (i, 0, 0)),
        ],
        out_specs=pl.BlockSpec((1, EMB), lambda i: (0, 0)),
        out_shape=jax.ShapeDtypeStruct((1, EMB), jnp.float32),
        scratch_shapes=[
            pltpu.VMEM((1, EMB), jnp.float32),
            pltpu.SMEM((2,), jnp.float32),
        ],
        compiler_params=pltpu.CompilerParams(
            dimension_semantics=("arbitrary",),
        ),
    )(t3, cls_preds)


def kernel(loc_preds, loc_targets, cls_preds, cls_targets, supports):
    parts = _sc_colsum(cls_preds)
    tc = _tc_part(cls_targets, cls_preds)
    return jnp.sum(parts) + jnp.sum(tc)

# --- scband reference (transcript-rebuilt; emitter-appended) ---
"""Pipeline reference for scband-protos-loss-24060406792597 (READ-ONLY COPY).

The authoritative reference and input builder live on the scoring server;
editing this copy changes nothing except your own understanding.
"""

import jax, jax.numpy as jnp
import numpy as np

N_WAY, N_SUPPORT, N_QUERY, EMB = 20, 5, 15, 128
B, NBOX = 16, 8732


def smooth_l1(x):
    a = jnp.abs(x)
    return jnp.where(a < 1.0, 0.5 * x * x, a - 0.5)


def setup_inputs(seed: int = 0) -> dict:
    key = jax.random.key(seed)
    k1, k2, k3, k4, k5 = jax.random.split(key, 5)
    loc_preds = jax.random.normal(k1, (B, NBOX, 4), dtype=jnp.float32)
    loc_targets = jax.random.normal(k2, (B, NBOX, 4), dtype=jnp.float32)
    cls_preds = jax.random.normal(k3, (B, NBOX, EMB), dtype=jnp.float32)
    cls_targets = jax.random.randint(k4, (B, NBOX), 0, N_WAY + 1, dtype=jnp.int32)
    # learned/stored episodic memory: supports accumulated during the support phase
    supports = jax.random.normal(k5, (N_WAY, N_SUPPORT, EMB), dtype=jnp.float32)
    return {
        "loc_preds": loc_preds,
        "loc_targets": loc_targets,
        "cls_preds": cls_preds,
        "cls_targets": cls_targets,
        "supports": supports,
    }


def reference(loc_preds, loc_targets, cls_preds, cls_targets, supports):
    # Query-phase forward (s_count >= n_support*n_way, q_count == 0):
    q_count = 0
    # protos built from stored support memory
    protos = supports.mean(axis=1)  # [n_way, emb]
    pos = cls_targets > 0
    num_pos = pos.sum().astype(jnp.float32)
    posf = pos.astype(jnp.float32)
    # masked smooth-L1 localization loss (sum reduction over positive anchors)
    loc_loss = (smooth_l1(loc_preds - loc_targets) * posf[..., None]).sum()
    # proto_loss (when_avg=False): mean embedding of positive query anchors
    mean_query = (cls_preds * posf[..., None]).sum(axis=(0, 1)) / num_pos  # [emb]
    # squared euclidean distance to each prototype
    dists2 = jnp.sum((mean_query[None, :] - protos) ** 2, axis=1)  # [n_way]
    log_p_y = jax.nn.log_softmax(-dists2)
    cls_loss = -log_p_y[q_count // N_QUERY]
    loss = cls_loss + loc_loss / num_pos
    return loss

if __name__ == "__main__":
    import jax
    _d = setup_inputs()
    print(jax.jit(kernel)(*tuple(_d.values())))

</pallas_src>

<mosaic_0001>
#map = affine_map<(d0, d1) -> (0, 0, 0)>
#map1 = affine_map<(d0, d1) -> (0, 0)>
module attributes {stable_mosaic.version = 14 : i64} {
  func.func @_sc_body(%arg0: i32, %arg1: i32, %arg2: memref<16x8732x128xf32, #tpu.memory_space<hbm>>, %arg3: memref<32x128xf32, #tpu.memory_space<hbm>>, %arg4: memref<2x168x128xf32, #tpu.memory_space<vmem>>, %arg5: memref<168x128xf32, #tpu.memory_space<vmem>>, %arg6: memref<160x128xf32, #tpu.memory_space<vmem>>, %arg7: memref<128xf32, #tpu.memory_space<vmem>>, %arg8: memref<!tpu.dma_semaphore, #tpu.memory_space<semaphore_mem>>, %arg9: memref<!tpu.dma_semaphore, #tpu.memory_space<semaphore_mem>>, %arg10: memref<!tpu.dma_semaphore, #tpu.memory_space<semaphore_mem>>) attributes {dimension_semantics = [#tpu.dimension_semantics<core_parallel>, #tpu.dimension_semantics<subcore_parallel>], iteration_bounds = array<i64: 2, 16>, scalar_prefetch = 0 : i64, scratch_operands = 7 : i64, tpu.core_type = #tpu.core_type<sc_vector_subcore>, window_params = [{transform_indices = #map}, {transform_indices = #map1}]} {
    %mul3A = arith.constant 2 : i32
    %mul3A_0 = arith.muli %arg1, %mul3A : i32
    %add3A = arith.addi %mul3A_0, %arg0 : i32
    %jit3A = arith.constant 4 : i32
    %div3A = arith.divsi %add3A, %jit3A : i32
    %sign3A = arith.constant 0 : i32
    %sign3A_1 = arith.cmpi sgt, %add3A, %sign3A : i32
    %sign3A_2 = arith.extui %sign3A_1 : i1 to i32
    %sign3A_3 = arith.constant 0 : i32
    %sign3A_4 = arith.cmpi slt, %add3A, %sign3A_3 : i32
    %sign3A_5 = arith.extui %sign3A_4 : i1 to i32
    %sign3A_6 = arith.subi %sign3A_2, %sign3A_5 : i32
    %sign3A_7 = arith.constant 0 : i32
    %sign3A_8 = arith.cmpi sgt, %jit3A, %sign3A_7 : i32
    %sign3A_9 = arith.extui %sign3A_8 : i1 to i32
    %sign3A_10 = arith.constant 0 : i32
    %sign3A_11 = arith.cmpi slt, %jit3A, %sign3A_10 : i32
    %sign3A_12 = arith.extui %sign3A_11 : i1 to i32
    %sign3A_13 = arith.subi %sign3A_9, %sign3A_12 : i32
    %ne3A = arith.cmpi ne, %sign3A_6, %sign3A_13 : i32
    %rem3A = arith.remsi %add3A, %jit3A : i32
    %ne3A_14 = arith.constant 0 : i32
    %ne3A_15 = arith.cmpi ne, %rem3A, %ne3A_14 : i32
    %and3A = arith.andi %ne3A, %ne3A_15 : i1
    %sub3A = arith.constant 1 : i32
    %sub3A_16 = arith.subi %div3A, %sub3A : i32
    %select_n3A = arith.select %and3A, %sub3A_16, %div3A : i32
    %add3A_17 = arith.constant 8 : i32
    %add3A_18 = arith.addi %add3A_17, %select_n3A : i32
    %jit3A_19 = arith.constant 4 : i32
    %eq3A = arith.constant 0 : i32
    %eq3A_20 = arith.cmpi eq, %jit3A_19, %eq3A : i32
    %jit3A_21 = arith.constant 1 : i32
    %select_n3A_22 = arith.select %eq3A_20, %jit3A_21, %jit3A_19 : i32
    %rem3A_23 = arith.remsi %add3A, %select_n3A_22 : i32
    %ne3A_24 = arith.constant 0 : i32
    %ne3A_25 = arith.cmpi ne, %rem3A_23, %ne3A_24 : i32
    %lt3A = arith.constant 0 : i32
    %lt3A_26 = arith.cmpi slt, %rem3A_23, %lt3A : i32
    %lt3A_27 = arith.constant 0 : i32
    %lt3A_28 = arith.cmpi slt, %select_n3A_22, %lt3A_27 : i32
    %ne3A_29 = arith.xori %lt3A_26, %lt3A_28 : i1
    %and3A_30 = arith.andi %ne3A_29, %ne3A_25 : i1
    %add3A_31 = arith.addi %rem3A_23, %select_n3A_22 : i32
    %select_n3A_32 = arith.select %and3A_30, %add3A_31, %rem3A_23 : i32
    %mul3A_33 = arith.constant 2184 : i32
    %mul3A_34 = arith.muli %select_n3A_32, %mul3A_33 : i32
    %lt3A_35 = arith.constant 3 : i32
    %lt3A_36 = arith.cmpi slt, %select_n3A_32, %lt3A_35 : i32
    %convert_element_type3A = arith.extui %lt3A_36 : i1 to i32
    %cond3A = arith.constant 0 : i32
    %cond3A_37 = arith.cmpi ne, %convert_element_type3A, %cond3A : i32
    scf.if %cond3A_37 {
      %add3A_159 = arith.constant 2016 : i32
      %add3A_160 = arith.addi %mul3A_34, %add3A_159 : i32
      %dma_start3A_161 = arith.constant 0 : i32
      %dma_start3A_162 = tpu.memref_slice %arg2[%add3A_18, %add3A_160, %dma_start3A_161] : memref<16x8732x128xf32, #tpu.memory_space<hbm>> -> memref<1x168x128xf32, #tpu.memory_space<hbm>>
      %dma_start3A_163 = tpu.memref_squeeze %dma_start3A_162 : memref<1x168x128xf32, #tpu.memory_space<hbm>> -> memref<168x128xf32, #tpu.memory_space<hbm>>
      %dma_start3A_164 = arith.constant 0 : i32
      %dma_start3A_165 = tpu.memref_slice %arg2[%add3A_18, %add3A_160, %dma_start3A_164] : memref<16x8732x128xf32, #tpu.memory_space<hbm>> -> memref<1x168x128xf32, #tpu.memory_space<hbm>>
      %dma_start3A_166 = tpu.memref_squeeze %dma_start3A_165 : memref<1x168x128xf32, #tpu.memory_space<hbm>> -> memref<168x128xf32, #tpu.memory_space<hbm>>
      tpu.enqueue_dma source(%dma_start3A_166 : memref<168x128xf32, #tpu.memory_space<hbm>>) target(%arg5 : memref<168x128xf32, #tpu.memory_space<vmem>>) target_semaphore(%arg10 : memref<!tpu.dma_semaphore, #tpu.memory_space<semaphore_mem>>)
    } else {
    }
    %eq3A_38 = arith.constant 3 : i32
    %eq3A_39 = arith.cmpi eq, %select_n3A_32, %eq3A_38 : i32
    %convert_element_type3A_40 = arith.extui %eq3A_39 : i1 to i32
    %cond3A_41 = arith.constant 0 : i32
    %cond3A_42 = arith.cmpi ne, %convert_element_type3A_40, %cond3A_41 : i32
    scf.if %cond3A_42 {
      %add3A_159 = arith.constant 2016 : i32
      %add3A_160 = arith.addi %mul3A_34, %add3A_159 : i32
      %dma_start3A_161 = arith.constant 0 : i32
      %dma_start3A_162 = tpu.memref_slice %arg2[%add3A_18, %add3A_160, %dma_start3A_161] : memref<16x8732x128xf32, #tpu.memory_space<hbm>> -> memref<1x160x128xf32, #tpu.memory_space<hbm>>
      %dma_start3A_163 = tpu.memref_squeeze %dma_start3A_162 : memref<1x160x128xf32, #tpu.memory_space<hbm>> -> memref<160x128xf32, #tpu.memory_space<hbm>>
      %dma_start3A_164 = arith.constant 0 : i32
      %dma_start3A_165 = tpu.memref_slice %arg2[%add3A_18, %add3A_160, %dma_start3A_164] : memref<16x8732x128xf32, #tpu.memory_space<hbm>> -> memref<1x160x128xf32, #tpu.memory_space<hbm>>
      %dma_start3A_166 = tpu.memref_squeeze %dma_start3A_165 : memref<1x160x128xf32, #tpu.memory_space<hbm>> -> memref<160x128xf32, #tpu.memory_space<hbm>>
      tpu.enqueue_dma source(%dma_start3A_166 : memref<160x128xf32, #tpu.memory_space<hbm>>) target(%arg6 : memref<160x128xf32, #tpu.memory_space<vmem>>) target_semaphore(%arg10 : memref<!tpu.dma_semaphore, #tpu.memory_space<semaphore_mem>>)
    } else {
    }
    %add3A_43 = arith.constant 0 : i32
    %add3A_44 = arith.addi %mul3A_34, %add3A_43 : i32
    %dma_start3A = arith.constant 0 : i32
    %dma_start3A_45 = arith.constant 0 : i32
    %dma_start3A_46 = arith.constant 0 : i32
    %dma_start3A_47 = tpu.memref_slice %arg4[%dma_start3A, %dma_start3A_45, %dma_start3A_46] : memref<2x168x128xf32, #tpu.memory_space<vmem>> -> memref<1x168x128xf32, #tpu.memory_space<vmem>>
    %dma_start3A_48 = tpu.memref_squeeze %dma_start3A_47 : memref<1x168x128xf32, #tpu.memory_space<vmem>> -> memref<168x128xf32, #tpu.memory_space<vmem>>
    %dma_start3A_49 = arith.constant 0 : i32
    %dma_start3A_50 = tpu.memref_slice %arg2[%add3A_18, %add3A_44, %dma_start3A_49] : memref<16x8732x128xf32, #tpu.memory_space<hbm>> -> memref<1x168x128xf32, #tpu.memory_space<hbm>>
    %dma_start3A_51 = tpu.memref_squeeze %dma_start3A_50 : memref<1x168x128xf32, #tpu.memory_space<hbm>> -> memref<168x128xf32, #tpu.memory_space<hbm>>
    %dma_start3A_52 = arith.constant 0 : i32
    %dma_start3A_53 = arith.constant 0 : i32
    %dma_start3A_54 = tpu.memref_slice %arg4[%dma_start3A, %dma_start3A_52, %dma_start3A_53] : memref<2x168x128xf32, #tpu.memory_space<vmem>> -> memref<1x168x128xf32, #tpu.memory_space<vmem>>
    %dma_start3A_55 = tpu.memref_squeeze %dma_start3A_54 : memref<1x168x128xf32, #tpu.memory_space<vmem>> -> memref<168x128xf32, #tpu.memory_space<vmem>>
    %dma_start3A_56 = arith.constant 0 : i32
    %dma_start3A_57 = tpu.memref_slice %arg2[%add3A_18, %add3A_44, %dma_start3A_56] : memref<16x8732x128xf32, #tpu.memory_space<hbm>> -> memref<1x168x128xf32, #tpu.memory_space<hbm>>
    %dma_start3A_58 = tpu.memref_squeeze %dma_start3A_57 : memref<1x168x128xf32, #tpu.memory_space<hbm>> -> memref<168x128xf32, #tpu.memory_space<hbm>>
    tpu.enqueue_dma source(%dma_start3A_58 : memref<168x128xf32, #tpu.memory_space<hbm>>) target(%dma_start3A_55 : memref<168x128xf32, #tpu.memory_space<vmem>>) target_semaphore(%arg8 : memref<!tpu.dma_semaphore, #tpu.memory_space<semaphore_mem>>)
    %add3A_59 = arith.constant 168 : i32
    %add3A_60 = arith.addi %mul3A_34, %add3A_59 : i32
    %dma_start3A_61 = arith.constant 1 : i32
    %dma_start3A_62 = arith.constant 0 : i32
    %dma_start3A_63 = arith.constant 0 : i32
    %dma_start3A_64 = tpu.memref_slice %arg4[%dma_start3A_61, %dma_start3A_62, %dma_start3A_63] : memref<2x168x128xf32, #tpu.memory_space<vmem>> -> memref<1x168x128xf32, #tpu.memory_space<vmem>>
    %dma_start3A_65 = tpu.memref_squeeze %dma_start3A_64 : memref<1x168x128xf32, #tpu.memory_space<vmem>> -> memref<168x128xf32, #tpu.memory_space<vmem>>
    %dma_start3A_66 = arith.constant 0 : i32
    %dma_start3A_67 = tpu.memref_slice %arg2[%add3A_18, %add3A_60, %dma_start3A_66] : memref<16x8732x128xf32, #tpu.memory_space<hbm>> -> memref<1x168x128xf32, #tpu.memory_space<hbm>>
    %dma_start3A_68 = tpu.memref_squeeze %dma_start3A_67 : memref<1x168x128xf32, #tpu.memory_space<hbm>> -> memref<168x128xf32, #tpu.memory_space<hbm>>
    %dma_start3A_69 = arith.constant 0 : i32
    %dma_start3A_70 = arith.constant 0 : i32
    %dma_start3A_71 = tpu.memref_slice %arg4[%dma_start3A_61, %dma_start3A_69, %dma_start3A_70] : memref<2x168x128xf32, #tpu.memory_space<vmem>> -> memref<1x168x128xf32, #tpu.memory_space<vmem>>
    %dma_start3A_72 = tpu.memref_squeeze %dma_start3A_71 : memref<1x168x128xf32, #tpu.memory_space<vmem>> -> memref<168x128xf32, #tpu.memory_space<vmem>>
    %dma_start3A_73 = arith.constant 0 : i32
    %dma_start3A_74 = tpu.memref_slice %arg2[%add3A_18, %add3A_60, %dma_start3A_73] : memref<16x8732x128xf32, #tpu.memory_space<hbm>> -> memref<1x168x128xf32, #tpu.memory_space<hbm>>
    %dma_start3A_75 = tpu.memref_squeeze %dma_start3A_74 : memref<1x168x128xf32, #tpu.memory_space<hbm>> -> memref<168x128xf32, #tpu.memory_space<hbm>>
    tpu.enqueue_dma source(%dma_start3A_75 : memref<168x128xf32, #tpu.memory_space<hbm>>) target(%dma_start3A_72 : memref<168x128xf32, #tpu.memory_space<vmem>>) target_semaphore(%arg9 : memref<!tpu.dma_semaphore, #tpu.memory_space<semaphore_mem>>)
    %broadcast_in_dim3A = arith.constant 0.000000e+00 : f32
    %broadcast_in_dim3A_76 = vector.broadcast %broadcast_in_dim3A : f32 to vector<16xf32>
    %scan3A = arith.constant 0 : i32
    %scan3A_77 = arith.constant 6 : i32
    %scan3A_78 = arith.addi %scan3A, %scan3A_77 : i32
    %scan3A_79 = arith.constant 1 : i32
    %scan3A_80:8 = scf.for %scan3A_159 = %scan3A to %scan3A_78 step %scan3A_79 iter_args(%scan3A_160 = %broadcast_in_dim3A_76, %scan3A_161 = %broadcast_in_dim3A_76, %scan3A_162 = %broadcast_in_dim3A_76, %scan3A_163 = %broadcast_in_dim3A_76, %scan3A_164 = %broadcast_in_dim3A_76, %scan3A_165 = %broadcast_in_dim3A_76, %scan3A_166 = %broadcast_in_dim3A_76, %scan3A_167 = %broadcast_in_dim3A_76) -> (vector<16xf32>, vector<16xf32>, vector<16xf32>, vector<16xf32>, vector<16xf32>, vector<16xf32>, vector<16xf32>, vector<16xf32>)  : i32 {
      %mul3A_168 = arith.constant 2 : i32
      %mul3A_169 = arith.muli %scan3A_159, %mul3A_168 : i32
      %add3A_170 = arith.constant 0 : i32
      %add3A_171 = arith.addi %mul3A_169, %add3A_170 : i32
      %dma_wait3A = arith.constant 0 : i32
      %dma_wait3A_172 = arith.constant 0 : i32
      %dma_wait3A_173 = arith.constant 0 : i32
      %dma_wait3A_174 = tpu.memref_slice %arg4[%dma_wait3A, %dma_wait3A_172, %dma_wait3A_173] : memref<2x168x128xf32, #tpu.memory_space<vmem>> -> memref<1x168x128xf32, #tpu.memory_space<vmem>>
      %dma_wait3A_175 = tpu.memref_squeeze %dma_wait3A_174 : memref<1x168x128xf32, #tpu.memory_space<vmem>> -> memref<168x128xf32, #tpu.memory_space<vmem>>
      %dma_wait3A_176 = arith.constant 0 : i32
      %dma_wait3A_177 = arith.constant 0 : i32
      %dma_wait3A_178 = tpu.memref_slice %arg2[%add3A_18, %dma_wait3A_176, %dma_wait3A_177] : memref<16x8732x128xf32, #tpu.memory_space<hbm>> -> memref<1x168x128xf32, #tpu.memory_space<hbm>>
      %dma_wait3A_179 = tpu.memref_squeeze %dma_wait3A_178 : memref<1x168x128xf32, #tpu.memory_space<hbm>> -> memref<168x128xf32, #tpu.memory_space<hbm>>
      %dma_wait3A_180 = arith.constant 0 : i32
      %dma_wait3A_181 = arith.constant 0 : i32
      %dma_wait3A_182 = tpu.memref_slice %arg4[%dma_wait3A, %dma_wait3A_180, %dma_wait3A_181] : memref<2x168x128xf32, #tpu.memory_space<vmem>> -> memref<1x168x128xf32, #tpu.memory_space<vmem>>
      %dma_wait3A_183 = tpu.memref_squeeze %dma_wait3A_182 : memref<1x168x128xf32, #tpu.memory_space<vmem>> -> memref<168x128xf32, #tpu.memory_space<vmem>>
      %dma_wait3A_184 = arith.constant 0 : i32
      %dma_wait3A_185 = arith.constant 0 : i32
      %dma_wait3A_186 = tpu.memref_slice %arg2[%add3A_18, %dma_wait3A_184, %dma_wait3A_185] : memref<16x8732x128xf32, #tpu.memory_space<hbm>> -> memref<1x168x128xf32, #tpu.memory_space<hbm>>
      %dma_wait3A_187 = tpu.memref_squeeze %dma_wait3A_186 : memref<1x168x128xf32, #tpu.memory_space<hbm>> -> memref<168x128xf32, #tpu.memory_space<hbm>>
      tpu.wait_dma2 semaphore(%arg8 : memref<!tpu.dma_semaphore, #tpu.memory_space<semaphore_mem>>) src(%dma_wait3A_187 : memref<168x128xf32, #tpu.memory_space<hbm>>) dst(%dma_wait3A_183 : memref<168x128xf32, #tpu.memory_space<vmem>>)
      %scan3A_188 = arith.constant 0 : i32
      %scan3A_189 = arith.constant 0 : i32
      %scan3A_190 = arith.constant 42 : i32
      %scan3A_191 = arith.addi %scan3A_189, %scan3A_190 : i32
      %scan3A_192 = arith.constant 1 : i32
      %scan3A_193:8 = scf.for %scan3A_237 = %scan3A_189 to %scan3A_191 step %scan3A_192 iter_args(%scan3A_238 = %scan3A_160, %scan3A_239 = %scan3A_161, %scan3A_240 = %scan3A_162, %scan3A_241 = %scan3A_163, %scan3A_242 = %scan3A_164, %scan3A_243 = %scan3A_165, %scan3A_244 = %scan3A_166, %scan3A_245 = %scan3A_167) -> (vector<16xf32>, vector<16xf32>, vector<16xf32>, vector<16xf32>, vector<16xf32>, vector<16xf32>, vector<16xf32>, vector<16xf32>)  : i32 {
        %mul3A_246 = arith.constant 4 : i32
        %mul3A_247 = arith.muli %scan3A_237, %mul3A_246 : i32
        %add3A_248 = arith.constant 0 : i32
        %add3A_249 = arith.addi %mul3A_247, %add3A_248 : i32
        %get3A = arith.constant 0 : i32
        %get3A_250 = arith.constant 0 : i32
        %get3A_251 = tpu.memref_slice %arg4[%scan3A_188, %get3A, %get3A_250] : memref<2x168x128xf32, #tpu.memory_space<vmem>> -> memref<1x168x128xf32, #tpu.memory_space<vmem>>
        %get3A_252 = tpu.memref_squeeze %get3A_251 : memref<1x168x128xf32, #tpu.memory_space<vmem>> -> memref<168x128xf32, #tpu.memory_space<vmem>>
        %get3A_253 = arith.index_cast %add3A_249 : i32 to index
        %get3A_254 = arith.constant 0 : index
        %get3A_255 = tpu.vector_load %get3A_252[%get3A_253, %get3A_254] {strides = array<i32>} : memref<168x128xf32, #tpu.memory_space<vmem>>, vector<1x16xf32>,
        %get3A_256 = vector.shape_cast %get3A_255 : vector<1x16xf32> to vector<16xf32>
        %add3A_257 = arith.addf %scan3A_238, %get3A_256 : vector<16xf32>
        %mul3A_258 = arith.constant 4 : i32
        %mul3A_259 = arith.muli %scan3A_237, %mul3A_258 : i32
        %add3A_260 = arith.constant 0 : i32
        %add3A_261 = arith.addi %mul3A_259, %add3A_260 : i32
        %get3A_262 = arith.constant 0 : i32
        %get3A_263 = arith.constant 0 : i32
        %get3A_264 = tpu.memref_slice %arg4[%scan3A_188, %get3A_262, %get3A_263] : memref<2x168x128xf32, #tpu.memory_space<vmem>> -> memref<1x168x128xf32, #tpu.memory_space<vmem>>
        %get3A_265 = tpu.memref_squeeze %get3A_264 : memref<1x168x128xf32, #tpu.memory_space<vmem>> -> memref<168x128xf32, #tpu.memory_space<vmem>>
        %get3A_266 = arith.index_cast %add3A_261 : i32 to index
        %get3A_267 = arith.constant 16 : index
        %get3A_268 = tpu.vector_load %get3A_265[%get3A_266, %get3A_267] {strides = array<i32>} : memref<168x128xf32, #tpu.memory_space<vmem>>, vector<1x16xf32>,
        %get3A_269 = vector.shape_cast %get3A_268 : vector<1x16xf32> to vector<16xf32>
        %add3A_270 = arith.addf %scan3A_239, %get3A_269 : vector<16xf32>
        %mul3A_271 = arith.constant 4 : i32
        %mul3A_272 = arith.muli %scan3A_237, %mul3A_271 : i32
        %add3A_273 = arith.constant 0 : i32
        %add3A_274 = arith.addi %mul3A_272, %add3A_273 : i32
        %get3A_275 = arith.constant 0 : i32
        %get3A_276 = arith.constant 0 : i32
        %get3A_277 = tpu.memref_slice %arg4[%scan3A_188, %get3A_275, %get3A_276] : memref<2x168x128xf32, #tpu.memory_space<vmem>> -> memref<1x168x128xf32, #tpu.memory_space<vmem>>
        %get3A_278 = tpu.memref_squeeze %get3A_277 : memref<1x168x128xf32, #tpu.memory_space<vmem>> -> memref<168x128xf32, #tpu.memory_space<vmem>>
        %get3A_279 = arith.index_cast %add3A_274 : i32 to index
        %get3A_280 = arith.constant 32 : index
        %get3A_281 = tpu.vector_load %get3A_278[%get3A_279, %get3A_280] {strides = array<i32>} : memref<168x128xf32, #tpu.memory_space<vmem>>, vector<1x16xf32>,
        %get3A_282 = vector.shape_cast %get3A_281 : vector<1x16xf32> to vector<16xf32>
        %add3A_283 = arith.addf %scan3A_240, %get3A_282 : vector<16xf32>
        %mul3A_284 = arith.constant 4 : i32
        %mul3A_285 = arith.muli %scan3A_237, %mul3A_284 : i32
        %add3A_286 = arith.constant 0 : i32
        %add3A_287 = arith.addi %mul3A_285, %add3A_286 : i32
        %get3A_288 = arith.constant 0 : i32
        %get3A_289 = arith.constant 0 : i32
        %get3A_290 = tpu.memref_slice %arg4[%scan3A_188, %get3A_288, %get3A_289] : memref<2x168x128xf32, #tpu.memory_space<vmem>> -> memref<1x168x128xf32, #tpu.memory_space<vmem>>
        %get3A_291 = tpu.memref_squeeze %get3A_290 : memref<1x168x128xf32, #tpu.memory_space<vmem>> -> memref<168x128xf32, #tpu.memory_space<vmem>>
        %get3A_292 = arith.index_cast %add3A_287 : i32 to index
        %get3A_293 = arith.constant 48 : index
        %get3A_294 = tpu.vector_load %get3A_291[%get3A_292, %get3A_293] {strides = array<i32>} : memref<168x128xf32, #tpu.memory_space<vmem>>, vector<1x16xf32>,
        %get3A_295 = vector.shape_cast %get3A_294 : vector<1x16xf32> to vector<16xf32>
        %add3A_296 = arith.addf %scan3A_241, %get3A_295 : vector<16xf32>
        %mul3A_297 = arith.constant 4 : i32
        %mul3A_298 = arith.muli %scan3A_237, %mul3A_297 : i32
        %add3A_299 = arith.constant 0 : i32
        %add3A_300 = arith.addi %mul3A_298, %add3A_299 : i32
        %get3A_301 = arith.constant 0 : i32
        %get3A_302 = arith.constant 0 : i32
        %get3A_303 = tpu.memref_slice %arg4[%scan3A_188, %get3A_301, %get3A_302] : memref<2x168x128xf32, #tpu.memory_space<vmem>> -> memref<1x168x128xf32, #tpu.memory_space<vmem>>
        %get3A_304 = tpu.memref_squeeze %get3A_303 : memref<1x168x128xf32, #tpu.memory_space<vmem>> -> memref<168x128xf32, #tpu.memory_space<vmem>>
        %get3A_305 = arith.index_cast %add3A_300 : i32 to index
        %get3A_306 = arith.constant 64 : index
        %get3A_307 = tpu.vector_load %get3A_304[%get3A_305, %get3A_306] {strides = array<i32>} : memref<168x128xf32, #tpu.memory_space<vmem>>, vector<1x16xf32>,
        %get3A_308 = vector.shape_cast %get3A_307 : vector<1x16xf32> to vector<16xf32>
        %add3A_309 = arith.addf %scan3A_242, %get3A_308 : vector<16xf32>
        %mul3A_310 = arith.constant 4 : i32
        %mul3A_311 = arith.muli %scan3A_237, %mul3A_310 : i32
        %add3A_312 = arith.constant 0 : i32
        %add3A_313 = arith.addi %mul3A_311, %add3A_312 : i32
        %get3A_314 = arith.constant 0 : i32
        %get3A_315 = arith.constant 0 : i32
        %get3A_316 = tpu.memref_slice %arg4[%scan3A_188, %get3A_314, %get3A_315] : memref<2x168x128xf32, #tpu.memory_space<vmem>> -> memref<1x168x128xf32, #tpu.memory_space<vmem>>
        %get3A_317 = tpu.memref_squeeze %get3A_316 : memref<1x168x128xf32, #tpu.memory_space<vmem>> -> memref<168x128xf32, #tpu.memory_space<vmem>>
        %get3A_318 = arith.index_cast %add3A_313 : i32 to index
        %get3A_319 = arith.constant 80 : index
        %get3A_320 = tpu.vector_load %get3A_317[%get3A_318, %get3A_319] {strides = array<i32>} : memref<168x128xf32, #tpu.memory_space<vmem>>, vector<1x16xf32>,
        %get3A_321 = vector.shape_cast %get3A_320 : vector<1x16xf32> to vector<16xf32>
        %add3A_322 = arith.addf %scan3A_243, %get3A_321 : vector<16xf32>
        %mul3A_323 = arith.constant 4 : i32
        %mul3A_324 = arith.muli %scan3A_237, %mul3A_323 : i32
        %add3A_325 = arith.constant 0 : i32
        %add3A_326 = arith.addi %mul3A_324, %add3A_325 : i32
        %get3A_327 = arith.constant 0 : i32
        %get3A_328 = arith.constant 0 : i32
        %get3A_329 = tpu.memref_slice %arg4[%scan3A_188, %get3A_327, %get3A_328] : memref<2x168x128xf32, #tpu.memory_space<vmem>> -> memref<1x168x128xf32, #tpu.memory_space<vmem>>
        %get3A_330 = tpu.memref_squeeze %get3A_329 : memref<1x168x128xf32, #tpu.memory_space<vmem>> -> memref<168x128xf32, #tpu.memory_space<vmem>>
        %get3A_331 = arith.index_cast %add3A_326 : i32 to index
        %get3A_332 = arith.constant 96 : index
        %get3A_333 = tpu.vector_load %get3A_330[%get3A_331, %get3A_332] {strides = array<i32>} : memref<168x128xf32, #tpu.memory_space<vmem>>, vector<1x16xf32>,
        %get3A_334 = vector.shape_cast %get3A_333 : vector<1x16xf32> to vector<16xf32>
        %add3A_335 = arith.addf %scan3A_244, %get3A_334 : vector<16xf32>
        %mul3A_336 = arith.constant 4 : i32
        %mul3A_337 = arith.muli %scan3A_237, %mul3A_336 : i32
        %add3A_338 = arith.constant 0 : i32
        %add3A_339 = arith.addi %mul3A_337, %add3A_338 : i32
        %get3A_340 = arith.constant 0 : i32
        %get3A_341 = arith.constant 0 : i32
        %get3A_342 = tpu.memref_slice %arg4[%scan3A_188, %get3A_340, %get3A_341] : memref<2x168x128xf32, #tpu.memory_space<vmem>> -> memref<1x168x128xf32, #tpu.memory_space<vmem>>
        %get3A_343 = tpu.memref_squeeze %get3A_342 : memref<1x168x128xf32, #tpu.memory_space<vmem>> -> memref<168x128xf32, #tpu.memory_space<vmem>>
        %get3A_344 = arith.index_cast %add3A_339 : i32 to index
        %get3A_345 = arith.constant 112 : index
        %get3A_346 = tpu.vector_load %get3A_343[%get3A_344, %get3A_345] {strides = array<i32>} : memref<168x128xf32, #tpu.memory_space<vmem>>, vector<1x16xf32>,
        %get3A_347 = vector.shape_cast %get3A_346 : vector<1x16xf32> to vector<16xf32>
        %add3A_348 = arith.addf %scan3A_245, %get3A_347 : vector<16xf32>
        %mul3A_349 = arith.constant 4 : i32
        %mul3A_350 = arith.muli %scan3A_237, %mul3A_349 : i32
        %add3A_351 = arith.constant 1 : i32
        %add3A_352 = arith.addi %mul3A_350, %add3A_351 : i32
        %get3A_353 = arith.constant 0 : i32
        %get3A_354 = arith.constant 0 : i32
        %get3A_355 = tpu.memref_slice %arg4[%scan3A_188, %get3A_353, %get3A_354] : memref<2x168x128xf32, #tpu.memory_space<vmem>> -> memref<1x168x128xf32, #tpu.memory_space<vmem>>
        %get3A_356 = tpu.memref_squeeze %get3A_355 : memref<1x168x128xf32, #tpu.memory_space<vmem>> -> memref<168x128xf32, #tpu.memory_space<vmem>>
        %get3A_357 = arith.index_cast %add3A_352 : i32 to index
        %get3A_358 = arith.constant 0 : index
        %get3A_359 = tpu.vector_load %get3A_356[%get3A_357, %get3A_358] {strides = array<i32>} : memref<168x128xf32, #tpu.memory_space<vmem>>, vector<1x16xf32>,
        %get3A_360 = vector.shape_cast %get3A_359 : vector<1x16xf32> to vector<16xf32>
        %add3A_361 = arith.addf %add3A_257, %get3A_360 : vector<16xf32>
        %mul3A_362 = arith.constant 4 : i32
        %mul3A_363 = arith.muli %scan3A_237, %mul3A_362 : i32
        %add3A_364 = arith.constant 1 : i32
        %add3A_365 = arith.addi %mul3A_363, %add3A_364 : i32
        %get3A_366 = arith.constant 0 : i32
        %get3A_367 = arith.constant 0 : i32
        %get3A_368 = tpu.memref_slice %arg4[%scan3A_188, %get3A_366, %get3A_367] : memref<2x168x128xf32, #tpu.memory_space<vmem>> -> memref<1x168x128xf32, #tpu.memory_space<vmem>>
        %get3A_369 = tpu.memref_squeeze %get3A_368 : memref<1x168x128xf32, #tpu.memory_space<vmem>> -> memref<168x128xf32, #tpu.memory_space<vmem>>
        %get3A_370 = arith.index_cast %add3A_365 : i32 to index
        %get3A_371 = arith.constant 16 : index
        %get3A_372 = tpu.vector_load %get3A_369[%get3A_370, %get3A_371] {strides = array<i32>} : memref<168x128xf32, #tpu.memory_space<vmem>>, vector<1x16xf32>,
        %get3A_373 = vector.shape_cast %get3A_372 : vector<1x16xf32> to vector<16xf32>
        %add3A_374 = arith.addf %add3A_270, %get3A_373 : vector<16xf32>
        %mul3A_375 = arith.constant 4 : i32
        %mul3A_376 = arith.muli %scan3A_237, %mul3A_375 : i32
        %add3A_377 = arith.constant 1 : i32
        %add3A_378 = arith.addi %mul3A_376, %add3A_377 : i32
        %get3A_379 = arith.constant 0 : i32
        %get3A_380 = arith.constant 0 : i32
        %get3A_381 = tpu.memref_slice %arg4[%scan3A_188, %get3A_379, %get3A_380] : memref<2x168x128xf32, #tpu.memory_space<vmem>> -> memref<1x168x128xf32, #tpu.memory_space<vmem>>
        %get3A_382 = tpu.memref_squeeze %get3A_381 : memref<1x168x128xf32, #tpu.memory_space<vmem>> -> memref<168x128xf32, #tpu.memory_space<vmem>>
        %get3A_383 = arith.index_cast %add3A_378 : i32 to index
        %get3A_384 = arith.constant 32 : index
        %get3A_385 = tpu.vector_load %get3A_382[%get3A_383, %get3A_384] {strides = array<i32>} : memref<168x128xf32, #tpu.memory_space<vmem>>, vector<1x16xf32>,
        %get3A_386 = vector.shape_cast %get3A_385 : vector<1x16xf32> to vector<16xf32>
        %add3A_387 = arith.addf %add3A_283, %get3A_386 : vector<16xf32>
        %mul3A_388 = arith.constant 4 : i32
        %mul3A_389 = arith.muli %scan3A_237, %mul3A_388 : i32
        %add3A_390 = arith.constant 1 : i32
        %add3A_391 = arith.addi %mul3A_389, %add3A_390 : i32
        %get3A_392 = arith.constant 0 : i32
        %get3A_393 = arith.constant 0 : i32
        %get3A_394 = tpu.memref_slice %arg4[%scan3A_188, %get3A_392, %get3A_393] : memref<2x168x128xf32, #tpu.memory_space<vmem>> -> memref<1x168x128xf32, #tpu.memory_space<vmem>>
        %get3A_395 = tpu.memref_squeeze %get3A_394 : memref<1x168x128xf32, #tpu.memory_space<vmem>> -> memref<168x128xf32, #tpu.memory_space<vmem>>
        %get3A_396 = arith.index_cast %add3A_391 : i32 to index
        %get3A_397 = arith.constant 48 : index
        %get3A_398 = tpu.vector_load %get3A_395[%get3A_396, %get3A_397] {strides = array<i32>} : memref<168x128xf32, #tpu.memory_space<vmem>>, vector<1x16xf32>,
        %get3A_399 = vector.shape_cast %get3A_398 : vector<1x16xf32> to vector<16xf32>
        %add3A_400 = arith.addf %add3A_296, %get3A_399 : vector<16xf32>
        %mul3A_401 = arith.constant 4 : i32
        %mul3A_402 = arith.muli %scan3A_237, %mul3A_401 : i32
        %add3A_403 = arith.constant 1 : i32
        %add3A_404 = arith.addi %mul3A_402, %add3A_403 : i32
        %get3A_405 = arith.constant 0 : i32
        %get3A_406 = arith.constant 0 : i32
        %get3A_407 = tpu.memref_slice %arg4[%scan3A_188, %get3A_405, %get3A_406] : memref<2x168x128xf32, #tpu.memory_space<vmem>> -> memref<1x168x128xf32, #tpu.memory_space<vmem>>
        %get3A_408 = tpu.memref_squeeze %get3A_407 : memref<1x168x128xf32, #tpu.memory_space<vmem>> -> memref<168x128xf32, #tpu.memory_space<vmem>>
        %get3A_409 = arith.index_cast %add3A_404 : i32 to index
        %get3A_410 = arith.constant 64 : index
        %get3A_411 = tpu.vector_load %get3A_408[%get3A_409, %get3A_410] {strides = array<i32>} : memref<168x128xf32, #tpu.memory_space<vmem>>, vector<1x16xf32>,
        %get3A_412 = vector.shape_cast %get3A_411 : vector<1x16xf32> to vector<16xf32>
        %add3A_413 = arith.addf %add3A_309, %get3A_412 : vector<16xf32>
        %mul3A_414 = arith.constant 4 : i32
        %mul3A_415 = arith.muli %scan3A_237, %mul3A_414 : i32
        %add3A_416 = arith.constant 1 : i32
        %add3A_417 = arith.addi %mul3A_415, %add3A_416 : i32
        %get3A_418 = arith.constant 0 : i32
        %get3A_419 = arith.constant 0 : i32
        %get3A_420 = tpu.memref_slice %arg4[%scan3A_188, %get3A_418, %get3A_419] : memref<2x168x128xf32, #tpu.memory_space<vmem>> -> memref<1x168x128xf32, #tpu.memory_space<vmem>>
        %get3A_421 = tpu.memref_squeeze %get3A_420 : memref<1x168x128xf32, #tpu.memory_space<vmem>> -> memref<168x128xf32, #tpu.memory_space<vmem>>
        %get3A_422 = arith.index_cast %add3A_417 : i32 to index
        %get3A_423 = arith.constant 80 : index
        %get3A_424 = tpu.vector_load %get3A_421[%get3A_422, %get3A_423] {strides = array<i32>} : memref<168x128xf32, #tpu.memory_space<vmem>>, vector<1x16xf32>,
        %get3A_425 = vector.shape_cast %get3A_424 : vector<1x16xf32> to vector<16xf32>
        %add3A_426 = arith.addf %add3A_322, %get3A_425 : vector<16xf32>
        %mul3A_427 = arith.constant 4 : i32
        %mul3A_428 = arith.muli %scan3A_237, %mul3A_427 : i32
        %add3A_429 = arith.constant 1 : i32
        %add3A_430 = arith.addi %mul3A_428, %add3A_429 : i32
        %get3A_431 = arith.constant 0 : i32
        %get3A_432 = arith.constant 0 : i32
        %get3A_433 = tpu.memref_slice %arg4[%scan3A_188, %get3A_431, %get3A_432] : memref<2x168x128xf32, #tpu.memory_space<vmem>> -> memref<1x168x128xf32, #tpu.memory_space<vmem>>
        %get3A_434 = tpu.memref_squeeze %get3A_433 : memref<1x168x128xf32, #tpu.memory_space<vmem>> -> memref<168x128xf32, #tpu.memory_space<vmem>>
        %get3A_435 = arith.index_cast %add3A_430 : i32 to index
        %get3A_436 = arith.constant 96 : index
        %get3A_437 = tpu.vector_load %get3A_434[%get3A_435, %get3A_436] {strides = array<i32>} : memref<168x128xf32, #tpu.memory_space<vmem>>, vector<1x16xf32>,
        %get3A_438 = vector.shape_cast %get3A_437 : vector<1x16xf32> to vector<16xf32>
        %add3A_439 = arith.addf %add3A_335, %get3A_438 : vector<16xf32>
        %mul3A_440 = arith.constant 4 : i32
        %mul3A_441 = arith.muli %scan3A_237, %mul3A_440 : i32
        %add3A_442 = arith.constant 1 : i32
        %add3A_443 = arith.addi %mul3A_441, %add3A_442 : i32
        %get3A_444 = arith.constant 0 : i32
        %get3A_445 = arith.constant 0 : i32
        %get3A_446 = tpu.memref_slice %arg4[%scan3A_188, %get3A_444, %get3A_445] : memref<2x168x128xf32, #tpu.memory_space<vmem>> -> memref<1x168x128xf32, #tpu.memory_space<vmem>>
        %get3A_447 = tpu.memref_squeeze %get3A_446 : memref<1x168x128xf32, #tpu.memory_space<vmem>> -> memref<168x128xf32, #tpu.memory_space<vmem>>
        %get3A_448 = arith.index_cast %add3A_443 : i32 to index
        %get3A_449 = arith.constant 112 : index
        %get3A_450 = tpu.vector_load %get3A_447[%get3A_448, %get3A_449] {strides = array<i32>} : memref<168x128xf32, #tpu.memory_space<vmem>>, vector<1x16xf32>,
        %get3A_451 = vector.shape_cast %get3A_450 : vector<1x16xf32> to vector<16xf32>
        %add3A_452 = arith.addf %add3A_348, %get3A_451 : vector<16xf32>
        %mul3A_453 = arith.constant 4 : i32
        %mul3A_454 = arith.muli %scan3A_237, %mul3A_453 : i32
        %add3A_455 = arith.constant 2 : i32
        %add3A_456 = arith.addi %mul3A_454, %add3A_455 : i32
        %get3A_457 = arith.constant 0 : i32
        %get3A_458 = arith.constant 0 : i32
        %get3A_459 = tpu.memref_slice %arg4[%scan3A_188, %get3A_457, %get3A_458] : memref<2x168x128xf32, #tpu.memory_space<vmem>> -> memref<1x168x128xf32, #tpu.memory_space<vmem>>
        %get3A_460 = tpu.memref_squeeze %get3A_459 : memref<1x168x128xf32, #tpu.memory_space<vmem>> -> memref<168x128xf32, #tpu.memory_space<vmem>>
        %get3A_461 = arith.index_cast %add3A_456 : i32 to index
        %get3A_462 = arith.constant 0 : index
        %get3A_463 = tpu.vector_load %get3A_460[%get3A_461, %get3A_462] {strides = array<i32>} : memref<168x128xf32, #tpu.memory_space<vmem>>, vector<1x16xf32>,
        %get3A_464 = vector.shape_cast %get3A_463 : vector<1x16xf32> to vector<16xf32>
        %add3A_465 = arith.addf %add3A_361, %get3A_464 : vector<16xf32>
        %mul3A_466 = arith.constant 4 : i32
        %mul3A_467 = arith.muli %scan3A_237, %mul3A_466 : i32
        %add3A_468 = arith.constant 2 : i32
        %add3A_469 = arith.addi %mul3A_467, %add3A_468 : i32
        %get3A_470 = arith.constant 0 : i32
        %get3A_471 = arith.constant 0 : i32
        %get3A_472 = tpu.memref_slice %arg4[%scan3A_188, %get3A_470, %get3A_471] : memref<2x168x128xf32, #tpu.memory_space<vmem>> -> memref<1x168x128xf32, #tpu.memory_space<vmem>>
        %get3A_473 = tpu.memref_squeeze %get3A_472 : memref<1x168x128xf32, #tpu.memory_space<vmem>> -> memref<168x128xf32, #tpu.memory_space<vmem>>
        %get3A_474 = arith.index_cast %add3A_469 : i32 to index
        %get3A_475 = arith.constant 16 : index
        %get3A_476 = tpu.vector_load %get3A_473[%get3A_474, %get3A_475] {strides = array<i32>} : memref<168x128xf32, #tpu.memory_space<vmem>>, vector<1x16xf32>,
        %get3A_477 = vector.shape_cast %get3A_476 : vector<1x16xf32> to vector<16xf32>
        %add3A_478 = arith.addf %add3A_374, %get3A_477 : vector<16xf32>
        %mul3A_479 = arith.constant 4 : i32
        %mul3A_480 = arith.muli %scan3A_237, %mul3A_479 : i32
        %add3A_481 = arith.constant 2 : i32
        %add3A_482 = arith.addi %mul3A_480, %add3A_481 : i32
        %get3A_483 = arith.constant 0 : i32
        %get3A_484 = arith.constant 0 : i32
        %get3A_485 = tpu.memref_slice %arg4[%scan3A_188, %get3A_483, %get3A_484] : memref<2x168x128xf32, #tpu.memory_space<vmem>> -> memref<1x168x128xf32, #tpu.memory_space<vmem>>
        %get3A_486 = tpu.memref_squeeze %get3A_485 : memref<1x168x128xf32, #tpu.memory_space<vmem>> -> memref<168x128xf32, #tpu.memory_space<vmem>>
        %get3A_487 = arith.index_cast %add3A_482 : i32 to index
        %get3A_488 = arith.constant 32 : index
        %get3A_489 = tpu.vector_load %get3A_486[%get3A_487, %get3A_488] {strides = array<i32>} : memref<168x128xf32, #tpu.memory_space<vmem>>, vector<1x16xf32>,
        %get3A_490 = vector.shape_cast %get3A_489 : vector<1x16xf32> to vector<16xf32>
        %add3A_491 = arith.addf %add3A_387, %get3A_490 : vector<16xf32>
        %mul3A_492 = arith.constant 4 : i32
        %mul3A_493 = arith.muli %scan3A_237, %mul3A_492 : i32
        %add3A_494 = arith.constant 2 : i32
        %add3A_495 = arith.addi %mul3A_493, %add3A_494 : i32
        %get3A_496 = arith.constant 0 : i32
        %get3A_497 = arith.constant 0 : i32
        %get3A_498 = tpu.memref_slice %arg4[%scan3A_188, %get3A_496, %get3A_497] : memref<2x168x128xf32, #tpu.memory_space<vmem>> -> memref<1x168x128xf32, #tpu.memory_space<vmem>>
        %get3A_499 = tpu.memref_squeeze %get3A_498 : memref<1x168x128xf32, #tpu.memory_space<vmem>> -> memref<168x128xf32, #tpu.memory_space<vmem>>
        %get3A_500 = arith.index_cast %add3A_495 : i32 to index
        %get3A_501 = arith.constant 48 : index
        %get3A_502 = tpu.vector_load %get3A_499[%get3A_500, %get3A_501] {strides = array<i32>} : memref<168x128xf32, #tpu.memory_space<vmem>>, vector<1x16xf32>,
        %get3A_503 = vector.shape_cast %get3A_502 : vector<1x16xf32> to vector<16xf32>
        %add3A_504 = arith.addf %add3A_400, %get3A_503 : vector<16xf32>
        %mul3A_505 = arith.constant 4 : i32
        %mul3A_506 = arith.muli %scan3A_237, %mul3A_505 : i32
        %add3A_507 = arith.constant 2 : i32
        %add3A_508 = arith.addi %mul3A_506, %add3A_507 : i32
        %get3A_509 = arith.constant 0 : i32
        %get3A_510 = arith.constant 0 : i32
        %get3A_511 = tpu.memref_slice %arg4[%scan3A_188, %get3A_509, %get3A_510] : memref<2x168x128xf32, #tpu.memory_space<vmem>> -> memref<1x168x128xf32, #tpu.memory_space<vmem>>
        %get3A_512 = tpu.memref_squeeze %get3A_511 : memref<1x168x128xf32, #tpu.memory_space<vmem>> -> memref<168x128xf32, #tpu.memory_space<vmem>>
        %get3A_513 = arith.index_cast %add3A_508 : i32 to index
        %get3A_514 = arith.constant 64 : index
        %get3A_515 = tpu.vector_load %get3A_512[%get3A_513, %get3A_514] {strides = array<i32>} : memref<168x128xf32, #tpu.memory_space<vmem>>, vector<1x16xf32>,
        %get3A_516 = vector.shape_cast %get3A_515 : vector<1x16xf32> to vector<16xf32>
        %add3A_517 = arith.addf %add3A_413, %get3A_516 : vector<16xf32>
        %mul3A_518 = arith.constant 4 : i32
        %mul3A_519 = arith.muli %scan3A_237, %mul3A_518 : i32
        %add3A_520 = arith.constant 2 : i32
        %add3A_521 = arith.addi %mul3A_519, %add3A_520 : i32
        %get3A_522 = arith.constant 0 : i32
        %get3A_523 = arith.constant 0 : i32
        %get3A_524 = tpu.memref_slice %arg4[%scan3A_188, %get3A_522, %get3A_523] : memref<2x168x128xf32, #tpu.memory_space<vmem>> -> memref<1x168x128xf32, #tpu.memory_space<vmem>>
        %get3A_525 = tpu.memref_squeeze %get3A_524 : memref<1x168x128xf32, #tpu.memory_space<vmem>> -> memref<168x128xf32, #tpu.memory_space<vmem>>
        %get3A_526 = arith.index_cast %add3A_521 : i32 to index
        %get3A_527 = arith.constant 80 : index
        %get3A_528 = tpu.vector_load %get3A_525[%get3A_526, %get3A_527] {strides = array<i32>} : memref<168x128xf32, #tpu.memory_space<vmem>>, vector<1x16xf32>,
        %get3A_529 = vector.shape_cast %get3A_528 : vector<1x16xf32> to vector<16xf32>
        %add3A_530 = arith.addf %add3A_426, %get3A_529 : vector<16xf32>
        %mul3A_531 = arith.constant 4 : i32
        %mul3A_532 = arith.muli %scan3A_237, %mul3A_531 : i32
        %add3A_533 = arith.constant 2 : i32
        %add3A_534 = arith.addi %mul3A_532, %add3A_533 : i32
        %get3A_535 = arith.constant 0 : i32
        %get3A_536 = arith.constant 0 : i32
        %get3A_537 = tpu.memref_slice %arg4[%scan3A_188, %get3A_535, %get3A_536] : memref<2x168x128xf32, #tpu.memory_space<vmem>> -> memref<1x168x128xf32, #tpu.memory_space<vmem>>
        %get3A_538 = tpu.memref_squeeze %get3A_537 : memref<1x168x128xf32, #tpu.memory_space<vmem>> -> memref<168x128xf32, #tpu.memory_space<vmem>>
        %get3A_539 = arith.index_cast %add3A_534 : i32 to index
        %get3A_540 = arith.constant 96 : index
        %get3A_541 = tpu.vector_load %get3A_538[%get3A_539, %get3A_540] {strides = array<i32>} : memref<168x128xf32, #tpu.memory_space<vmem>>, vector<1x16xf32>,
        %get3A_542 = vector.shape_cast %get3A_541 : vector<1x16xf32> to vector<16xf32>
        %add3A_543 = arith.addf %add3A_439, %get3A_542 : vector<16xf32>
        %mul3A_544 = arith.constant 4 : i32
        %mul3A_545 = arith.muli %scan3A_237, %mul3A_544 : i32
        %add3A_546 = arith.constant 2 : i32
        %add3A_547 = arith.addi %mul3A_545, %add3A_546 : i32
        %get3A_548 = arith.constant 0 : i32
        %get3A_549 = arith.constant 0 : i32
        %get3A_550 = tpu.memref_slice %arg4[%scan3A_188, %get3A_548, %get3A_549] : memref<2x168x128xf32, #tpu.memory_space<vmem>> -> memref<1x168x128xf32, #tpu.memory_space<vmem>>
        %get3A_551 = tpu.memref_squeeze %get3A_550 : memref<1x168x128xf32, #tpu.memory_space<vmem>> -> memref<168x128xf32, #tpu.memory_space<vmem>>
        %get3A_552 = arith.index_cast %add3A_547 : i32 to index
        %get3A_553 = arith.constant 112 : index
        %get3A_554 = tpu.vector_load %get3A_551[%get3A_552, %get3A_553] {strides = array<i32>} : memref<168x128xf32, #tpu.memory_space<vmem>>, vector<1x16xf32>,
        %get3A_555 = vector.shape_cast %get3A_554 : vector<1x16xf32> to vector<16xf32>
        %add3A_556 = arith.addf %add3A_452, %get3A_555 : vector<16xf32>
        %mul3A_557 = arith.constant 4 : i32
        %mul3A_558 = arith.muli %scan3A_237, %mul3A_557 : i32
        %add3A_559 = arith.constant 3 : i32
        %add3A_560 = arith.addi %mul3A_558, %add3A_559 : i32
        %get3A_561 = arith.constant 0 : i32
        %get3A_562 = arith.constant 0 : i32
        %get3A_563 = tpu.memref_slice %arg4[%scan3A_188, %get3A_561, %get3A_562] : memref<2x168x128xf32, #tpu.memory_space<vmem>> -> memref<1x168x128xf32, #tpu.memory_space<vmem>>
        %get3A_564 = tpu.memref_squeeze %get3A_563 : memref<1x168x128xf32, #tpu.memory_space<vmem>> -> memref<168x128xf32, #tpu.memory_space<vmem>>
        %get3A_565 = arith.index_cast %add3A_560 : i32 to index
        %get3A_566 = arith.constant 0 : index
        %get3A_567 = tpu.vector_load %get3A_564[%get3A_565, %get3A_566] {strides = array<i32>} : memref<168x128xf32, #tpu.memory_space<vmem>>, vector<1x16xf32>,
        %get3A_568 = vector.shape_cast %get3A_567 : vector<1x16xf32> to vector<16xf32>
        %add3A_569 = arith.addf %add3A_465, %get3A_568 : vector<16xf32>
        %mul3A_570 = arith.constant 4 : i32
        %mul3A_571 = arith.muli %scan3A_237, %mul3A_570 : i32
        %add3A_572 = arith.constant 3 : i32
        %add3A_573 = arith.addi %mul3A_571, %add3A_572 : i32
        %get3A_574 = arith.constant 0 : i32
        %get3A_575 = arith.constant 0 : i32
        %get3A_576 = tpu.memref_slice %arg4[%scan3A_188, %get3A_574, %get3A_575] : memref<2x168x128xf32, #tpu.memory_space<vmem>> -> memref<1x168x128xf32, #tpu.memory_space<vmem>>
        %get3A_577 = tpu.memref_squeeze %get3A_576 : memref<1x168x128xf32, #tpu.memory_space<vmem>> -> memref<168x128xf32, #tpu.memory_space<vmem>>
        %get3A_578 = arith.index_cast %add3A_573 : i32 to index
        %get3A_579 = arith.constant 16 : index
        %get3A_580 = tpu.vector_load %get3A_577[%get3A_578, %get3A_579] {strides = array<i32>} : memref<168x128xf32, #tpu.memory_space<vmem>>, vector<1x16xf32>,
        %get3A_581 = vector.shape_cast %get3A_580 : vector<1x16xf32> to vector<16xf32>
        %add3A_582 = arith.addf %add3A_478, %get3A_581 : vector<16xf32>
        %mul3A_583 = arith.constant 4 : i32
        %mul3A_584 = arith.muli %scan3A_237, %mul3A_583 : i32
        %add3A_585 = arith.constant 3 : i32
        %add3A_586 = arith.addi %mul3A_584, %add3A_585 : i32
        %get3A_587 = arith.constant 0 : i32
        %get3A_588 = arith.constant 0 : i32
        %get3A_589 = tpu.memref_slice %arg4[%scan3A_188, %get3A_587, %get3A_588] : memref<2x168x128xf32, #tpu.memory_space<vmem>> -> memref<1x168x128xf32, #tpu.memory_space<vmem>>
        %get3A_590 = tpu.memref_squeeze %get3A_589 : memref<1x168x128xf32, #tpu.memory_space<vmem>> -> memref<168x128xf32, #tpu.memory_space<vmem>>
        %get3A_591 = arith.index_cast %add3A_586 : i32 to index
        %get3A_592 = arith.constant 32 : index
        %get3A_593 = tpu.vector_load %get3A_590[%get3A_591, %get3A_592] {strides = array<i32>} : memref<168x128xf32, #tpu.memory_space<vmem>>, vector<1x16xf32>,
        %get3A_594 = vector.shape_cast %get3A_593 : vector<1x16xf32> to vector<16xf32>
        %add3A_595 = arith.addf %add3A_491, %get3A_594 : vector<16xf32>
        %mul3A_596 = arith.constant 4 : i32
        %mul3A_597 = arith.muli %scan3A_237, %mul3A_596 : i32
        %add3A_598 = arith.constant 3 : i32
        %add3A_599 = arith.addi %mul3A_597, %add3A_598 : i32
        %get3A_600 = arith.constant 0 : i32
        %get3A_601 = arith.constant 0 : i32
        %get3A_602 = tpu.memref_slice %arg4[%scan3A_188, %get3A_600, %get3A_601] : memref<2x168x128xf32, #tpu.memory_space<vmem>> -> memref<1x168x128xf32, #tpu.memory_space<vmem>>
        %get3A_603 = tpu.memref_squeeze %get3A_602 : memref<1x168x128xf32, #tpu.memory_space<vmem>> -> memref<168x128xf32, #tpu.memory_space<vmem>>
        %get3A_604 = arith.index_cast %add3A_599 : i32 to index
        %get3A_605 = arith.constant 48 : index
        %get3A_606 = tpu.vector_load %get3A_603[%get3A_604, %get3A_605] {strides = array<i32>} : memref<168x128xf32, #tpu.memory_space<vmem>>, vector<1x16xf32>,
        %get3A_607 = vector.shape_cast %get3A_606 : vector<1x16xf32> to vector<16xf32>
        %add3A_608 = arith.addf %add3A_504, %get3A_607 : vector<16xf32>
        %mul3A_609 = arith.constant 4 : i32
        %mul3A_610 = arith.muli %scan3A_237, %mul3A_609 : i32
        %add3A_611 = arith.constant 3 : i32
        %add3A_612 = arith.addi %mul3A_610, %add3A_611 : i32
        %get3A_613 = arith.constant 0 : i32
        %get3A_614 = arith.constant 0 : i32
        %get3A_615 = tpu.memref_slice %arg4[%scan3A_188, %get3A_613, %get3A_614] : memref<2x168x128xf32, #tpu.memory_space<vmem>> -> memref<1x168x128xf32, #tpu.memory_space<vmem>>
        %get3A_616 = tpu.memref_squeeze %get3A_615 : memref<1x168x128xf32, #tpu.memory_space<vmem>> -> memref<168x128xf32, #tpu.memory_space<vmem>>
        %get3A_617 = arith.index_cast %add3A_612 : i32 to index
        %get3A_618 = arith.constant 64 : index
        %get3A_619 = tpu.vector_load %get3A_616[%get3A_617, %get3A_618] {strides = array<i32>} : memref<168x128xf32, #tpu.memory_space<vmem>>, vector<1x16xf32>,
        %get3A_620 = vector.shape_cast %get3A_619 : vector<1x16xf32> to vector<16xf32>
        %add3A_621 = arith.addf %add3A_517, %get3A_620 : vector<16xf32>
        %mul3A_622 = arith.constant 4 : i32
        %mul3A_623 = arith.muli %scan3A_237, %mul3A_622 : i32
        %add3A_624 = arith.constant 3 : i32
        %add3A_625 = arith.addi %mul3A_623, %add3A_624 : i32
        %get3A_626 = arith.constant 0 : i32
        %get3A_627 = arith.constant 0 : i32
        %get3A_628 = tpu.memref_slice %arg4[%scan3A_188, %get3A_626, %get3A_627] : memref<2x168x128xf32, #tpu.memory_space<vmem>> -> memref<1x168x128xf32, #tpu.memory_space<vmem>>
        %get3A_629 = tpu.memref_squeeze %get3A_628 : memref<1x168x128xf32, #tpu.memory_space<vmem>> -> memref<168x128xf32, #tpu.memory_space<vmem>>
        %get3A_630 = arith.index_cast %add3A_625 : i32 to index
        %get3A_631 = arith.constant 80 : index
        %get3A_632 = tpu.vector_load %get3A_629[%get3A_630, %get3A_631] {strides = array<i32>} : memref<168x128xf32, #tpu.memory_space<vmem>>, vector<1x16xf32>,
        %get3A_633 = vector.shape_cast %get3A_632 : vector<1x16xf32> to vector<16xf32>
        %add3A_634 = arith.addf %add3A_530, %get3A_633 : vector<16xf32>
        %mul3A_635 = arith.constant 4 : i32
        %mul3A_636 = arith.muli %scan3A_237, %mul3A_635 : i32
        %add3A_637 = arith.constant 3 : i32
        %add3A_638 = arith.addi %mul3A_636, %add3A_637 : i32
        %get3A_639 = arith.constant 0 : i32
        %get3A_640 = arith.constant 0 : i32
        %get3A_641 = tpu.memref_slice %arg4[%scan3A_188, %get3A_639, %get3A_640] : memref<2x168x128xf32, #tpu.memory_space<vmem>> -> memref<1x168x128xf32, #tpu.memory_space<vmem>>
        %get3A_642 = tpu.memref_squeeze %get3A_641 : memref<1x168x128xf32, #tpu.memory_space<vmem>> -> memref<168x128xf32, #tpu.memory_space<vmem>>
        %get3A_643 = arith.index_cast %add3A_638 : i32 to index
        %get3A_644 = arith.constant 96 : index
        %get3A_645 = tpu.vector_load %get3A_642[%get3A_643, %get3A_644] {strides = array<i32>} : memref<168x128xf32, #tpu.memory_space<vmem>>, vector<1x16xf32>,
        %get3A_646 = vector.shape_cast %get3A_645 : vector<1x16xf32> to vector<16xf32>
        %add3A_647 = arith.addf %add3A_543, %get3A_646 : vector<16xf32>
        %mul3A_648 = arith.constant 4 : i32
        %mul3A_649 = arith.muli %scan3A_237, %mul3A_648 : i32
        %add3A_650 = arith.constant 3 : i32
        %add3A_651 = arith.addi %mul3A_649, %add3A_650 : i32
        %get3A_652 = arith.constant 0 : i32
        %get3A_653 = arith.constant 0 : i32
        %get3A_654 = tpu.memref_slice %arg4[%scan3A_188, %get3A_652, %get3A_653] : memref<2x168x128xf32, #tpu.memory_space<vmem>> -> memref<1x168x128xf32, #tpu.memory_space<vmem>>
        %get3A_655 = tpu.memref_squeeze %get3A_654 : memref<1x168x128xf32, #tpu.memory_space<vmem>> -> memref<168x128xf32, #tpu.memory_space<vmem>>
        %get3A_656 = arith.index_cast %add3A_651 : i32 to index
        %get3A_657 = arith.constant 112 : index
        %get3A_658 = tpu.vector_load %get3A_655[%get3A_656, %get3A_657] {strides = array<i32>} : memref<168x128xf32, #tpu.memory_space<vmem>>, vector<1x16xf32>,
        %get3A_659 = vector.shape_cast %get3A_658 : vector<1x16xf32> to vector<16xf32>
        %add3A_660 = arith.addf %add3A_556, %get3A_659 : vector<16xf32>
        scf.yield %add3A_569, %add3A_582, %add3A_595, %add3A_608, %add3A_621, %add3A_634, %add3A_647, %add3A_660 : vector<16xf32>, vector<16xf32>, vector<16xf32>, vector<16xf32>, vector<16xf32>, vector<16xf32>, vector<16xf32>, vector<16xf32>
      }
      %scan3A_194 = arith.constant 42 : i32
      %add3A_195 = arith.constant 2 : i32
      %add3A_196 = arith.addi %add3A_171, %add3A_195 : i32
      %lt3A_197 = arith.constant 12 : i32
      %lt3A_198 = arith.cmpi slt, %add3A_196, %lt3A_197 : i32
      %convert_element_type3A_199 = arith.extui %lt3A_198 : i1 to i32
      %cond3A_200 = arith.constant 0 : i32
      %cond3A_201 = arith.cmpi ne, %convert_element_type3A_199, %cond3A_200 : i32
      scf.if %cond3A_201 {
        %add3A_237 = arith.constant 2 : i32
        %add3A_238 = arith.addi %add3A_171, %add3A_237 : i32
        %mul3A_239 = arith.constant 168 : i32
        %mul3A_240 = arith.muli %add3A_238, %mul3A_239 : i32
        %add3A_241 = arith.addi %mul3A_34, %mul3A_240 : i32
        %dma_start3A_242 = arith.constant 0 : i32
        %dma_start3A_243 = arith.constant 0 : i32
        %dma_start3A_244 = arith.constant 0 : i32
        %dma_start3A_245 = tpu.memref_slice %arg4[%dma_start3A_242, %dma_start3A_243, %dma_start3A_244] : memref<2x168x128xf32, #tpu.memory_space<vmem>> -> memref<1x168x128xf32, #tpu.memory_space<vmem>>
        %dma_start3A_246 = tpu.memref_squeeze %dma_start3A_245 : memref<1x168x128xf32, #tpu.memory_space<vmem>> -> memref<168x128xf32, #tpu.memory_space<vmem>>
        %dma_start3A_247 = arith.constant 0 : i32
        %dma_start3A_248 = tpu.memref_slice %arg2[%add3A_18, %add3A_241, %dma_start3A_247] : memref<16x8732x128xf32, #tpu.memory_space<hbm>> -> memref<1x168x128xf32, #tpu.memory_space<hbm>>
        %dma_start3A_249 = tpu.memref_squeeze %dma_start3A_248 : memref<1x168x128xf32, #tpu.memory_space<hbm>> -> memref<168x128xf32, #tpu.memory_space<hbm>>
        %dma_start3A_250 = arith.constant 0 : i32
        %dma_start3A_251 = arith.constant 0 : i32
        %dma_start3A_252 = tpu.memref_slice %arg4[%dma_start3A_242, %dma_start3A_250, %dma_start3A_251] : memref<2x168x128xf32, #tpu.memory_space<vmem>> -> memref<1x168x128xf32, #tpu.memory_space<vmem>>
        %dma_start3A_253 = tpu.memref_squeeze %dma_start3A_252 : memref<1x168x128xf32, #tpu.memory_space<vmem>> -> memref<168x128xf32, #tpu.memory_space<vmem>>
        %dma_start3A_254 = arith.constant 0 : i32
        %dma_start3A_255 = tpu.memref_slice %arg2[%add3A_18, %add3A_241, %dma_start3A_254] : memref<16x8732x128xf32, #tpu.memory_space<hbm>> -> memref<1x168x128xf32, #tpu.memory_space<hbm>>
        %dma_start3A_256 = tpu.memref_squeeze %dma_start3A_255 : memref<1x168x128xf32, #tpu.memory_space<hbm>> -> memref<168x128xf32, #tpu.memory_space<hbm>>
        tpu.enqueue_dma source(%dma_start3A_256 : memref<168x128xf32, #tpu.memory_space<hbm>>) target(%dma_start3A_253 : memref<168x128xf32, #tpu.memory_space<vmem>>) target_semaphore(%arg8 : memref<!tpu.dma_semaphore, #tpu.memory_space<semaphore_mem>>)
      } else {
      }
      %mul3A_202 = arith.constant 2 : i32
      %mul3A_203 = arith.muli %scan3A_159, %mul3A_202 : i32
      %add3A_204 = arith.constant 1 : i32
      %add3A_205 = arith.addi %mul3A_203, %add3A_204 : i32
      %dma_wait3A_206 = arith.constant 1 : i32
      %dma_wait3A_207 = arith.constant 0 : i32
      %dma_wait3A_208 = arith.constant 0 : i32
      %dma_wait3A_209 = tpu.memref_slice %arg4[%dma_wait3A_206, %dma_wait3A_207, %dma_wait3A_208] : memref<2x168x128xf32, #tpu.memory_space<vmem>> -> memref<1x168x128xf32, #tpu.memory_space<vmem>>
      %dma_wait3A_210 = tpu.memref_squeeze %dma_wait3A_209 : memref<1x168x128xf32, #tpu.memory_space<vmem>> -> memref<168x128xf32, #tpu.memory_space<vmem>>
      %dma_wait3A_211 = arith.constant 0 : i32
      %dma_wait3A_212 = arith.constant 0 : i32
      %dma_wait3A_213 = tpu.memref_slice %arg2[%add3A_18, %dma_wait3A_211, %dma_wait3A_212] : memref<16x8732x128xf32, #tpu.memory_space<hbm>> -> memref<1x168x128xf32, #tpu.memory_space<hbm>>
      %dma_wait3A_214 = tpu.memref_squeeze %dma_wait3A_213 : memref<1x168x128xf32, #tpu.memory_space<hbm>> -> memref<168x128xf32, #tpu.memory_space<hbm>>
      %dma_wait3A_215 = arith.constant 0 : i32
      %dma_wait3A_216 = arith.constant 0 : i32
      %dma_wait3A_217 = tpu.memref_slice %arg4[%dma_wait3A_206, %dma_wait3A_215, %dma_wait3A_216] : memref<2x168x128xf32, #tpu.memory_space<vmem>> -> memref<1x168x128xf32, #tpu.memory_space<vmem>>
      %dma_wait3A_218 = tpu.memref_squeeze %dma_wait3A_217 : memref<1x168x128xf32, #tpu.memory_space<vmem>> -> memref<168x128xf32, #tpu.memory_space<vmem>>
      %dma_wait3A_219 = arith.constant 0 : i32
      %dma_wait3A_220 = arith.constant 0 : i32
      %dma_wait3A_221 = tpu.memref_slice %arg2[%add3A_18, %dma_wait3A_219, %dma_wait3A_220] : memref<16x8732x128xf32, #tpu.memory_space<hbm>> -> memref<1x168x128xf32, #tpu.memory_space<hbm>>
      %dma_wait3A_222 = tpu.memref_squeeze %dma_wait3A_221 : memref<1x168x128xf32, #tpu.memory_space<hbm>> -> memref<168x128xf32, #tpu.memory_space<hbm>>
      tpu.wait_dma2 semaphore(%arg9 : memref<!tpu.dma_semaphore, #tpu.memory_space<semaphore_mem>>) src(%dma_wait3A_222 : memref<168x128xf32, #tpu.memory_space<hbm>>) dst(%dma_wait3A_218 : memref<168x128xf32, #tpu.memory_space<vmem>>)
      %scan3A_223 = arith.constant 1 : i32
      %scan3A_224 = arith.constant 0 : i32
      %scan3A_225 = arith.constant 42 : i32
      %scan3A_226 = arith.addi %scan3A_224, %scan3A_225 : i32
      %scan3A_227 = arith.constant 1 : i32
      %scan3A_228:8 = scf.for %scan3A_237 = %scan3A_224 to %scan3A_226 step %scan3A_227 iter_args(%scan3A_238 = %scan3A_193#0, %scan3A_239 = %scan3A_193#1, %scan3A_240 = %scan3A_193#2, %scan3A_241 = %scan3A_193#3, %scan3A_242 = %scan3A_193#4, %scan3A_243 = %scan3A_193#5, %scan3A_244 = %scan3A_193#6, %scan3A_245 = %scan3A_193#7) -> (vector<16xf32>, vector<16xf32>, vector<16xf32>, vector<16xf32>, vector<16xf32>, vector<16xf32>, vector<16xf32>, vector<16xf32>)  : i32 {
        %mul3A_246 = arith.constant 4 : i32
        %mul3A_247 = arith.muli %scan3A_237, %mul3A_246 : i32
        %add3A_248 = arith.constant 0 : i32
        %add3A_249 = arith.addi %mul3A_247, %add3A_248 : i32
        %get3A = arith.constant 0 : i32
        %get3A_250 = arith.constant 0 : i32
        %get3A_251 = tpu.memref_slice %arg4[%scan3A_223, %get3A, %get3A_250] : memref<2x168x128xf32, #tpu.memory_space<vmem>> -> memref<1x168x128xf32, #tpu.memory_space<vmem>>
        %get3A_252 = tpu.memref_squeeze %get3A_251 : memref<1x168x128xf32, #tpu.memory_space<vmem>> -> memref<168x128xf32, #tpu.memory_space<vmem>>
        %get3A_253 = arith.index_cast %add3A_249 : i32 to index
        %get3A_254 = arith.constant 0 : index
        %get3A_255 = tpu.vector_load %get3A_252[%get3A_253, %get3A_254] {strides = array<i32>} : memref<168x128xf32, #tpu.memory_space<vmem>>, vector<1x16xf32>,
        %get3A_256 = vector.shape_cast %get3A_255 : vector<1x16xf32> to vector<16xf32>
        %add3A_257 = arith.addf %scan3A_238, %get3A_256 : vector<16xf32>
        %mul3A_258 = arith.constant 4 : i32
        %mul3A_259 = arith.muli %scan3A_237, %mul3A_258 : i32
        %add3A_260 = arith.constant 0 : i32
        %add3A_261 = arith.addi %mul3A_259, %add3A_260 : i32
        %get3A_262 = arith.constant 0 : i32
        %get3A_263 = arith.constant 0 : i32
        %get3A_264 = tpu.memref_slice %arg4[%scan3A_223, %get3A_262, %get3A_263] : memref<2x168x128xf32, #tpu.memory_space<vmem>> -> memref<1x168x128xf32, #tpu.memory_space<vmem>>
        %get3A_265 = tpu.memref_squeeze %get3A_264 : memref<1x168x128xf32, #tpu.memory_space<vmem>> -> memref<168x128xf32, #tpu.memory_space<vmem>>
        %get3A_266 = arith.index_cast %add3A_261 : i32 to index
        %get3A_267 = arith.constant 16 : index
        %get3A_268 = tpu.vector_load %get3A_265[%get3A_266, %get3A_267] {strides = array<i32>} : memref<168x128xf32, #tpu.memory_space<vmem>>, vector<1x16xf32>,
        %get3A_269 = vector.shape_cast %get3A_268 : vector<1x16xf32> to vector<16xf32>
        %add3A_270 = arith.addf %scan3A_239, %get3A_269 : vector<16xf32>
        %mul3A_271 = arith.constant 4 : i32
        %mul3A_272 = arith.muli %scan3A_237, %mul3A_271 : i32
        %add3A_273 = arith.constant 0 : i32
        %add3A_274 = arith.addi %mul3A_272, %add3A_273 : i32
        %get3A_275 = arith.constant 0 : i32
        %get3A_276 = arith.constant 0 : i32
        %get3A_277 = tpu.memref_slice %arg4[%scan3A_223, %get3A_275, %get3A_276] : memref<2x168x128xf32, #tpu.memory_space<vmem>> -> memref<1x168x128xf32, #tpu.memory_space<vmem>>
        %get3A_278 = tpu.memref_squeeze %get3A_277 : memref<1x168x128xf32, #tpu.memory_space<vmem>> -> memref<168x128xf32, #tpu.memory_space<vmem>>
        %get3A_279 = arith.index_cast %add3A_274 : i32 to index
        %get3A_280 = arith.constant 32 : index
        %get3A_281 = tpu.vector_load %get3A_278[%get3A_279, %get3A_280] {strides = array<i32>} : memref<168x128xf32, #tpu.memory_space<vmem>>, vector<1x16xf32>,
        %get3A_282 = vector.shape_cast %get3A_281 : vector<1x16xf32> to vector<16xf32>
        %add3A_283 = arith.addf %scan3A_240, %get3A_282 : vector<16xf32>
        %mul3A_284 = arith.constant 4 : i32
        %mul3A_285 = arith.muli %scan3A_237, %mul3A_284 : i32
        %add3A_286 = arith.constant 0 : i32
        %add3A_287 = arith.addi %mul3A_285, %add3A_286 : i32
        %get3A_288 = arith.constant 0 : i32
        %get3A_289 = arith.constant 0 : i32
        %get3A_290 = tpu.memref_slice %arg4[%scan3A_223, %get3A_288, %get3A_289] : memref<2x168x128xf32, #tpu.memory_space<vmem>> -> memref<1x168x128xf32, #tpu.memory_space<vmem>>
        %get3A_291 = tpu.memref_squeeze %get3A_290 : memref<1x168x128xf32, #tpu.memory_space<vmem>> -> memref<168x128xf32, #tpu.memory_space<vmem>>
        %get3A_292 = arith.index_cast %add3A_287 : i32 to index
        %get3A_293 = arith.constant 48 : index
        %get3A_294 = tpu.vector_load %get3A_291[%get3A_292, %get3A_293] {strides = array<i32>} : memref<168x128xf32, #tpu.memory_space<vmem>>, vector<1x16xf32>,
        %get3A_295 = vector.shape_cast %get3A_294 : vector<1x16xf32> to vector<16xf32>
        %add3A_296 = arith.addf %scan3A_241, %get3A_295 : vector<16xf32>
        %mul3A_297 = arith.constant 4 : i32
        %mul3A_298 = arith.muli %scan3A_237, %mul3A_297 : i32
        %add3A_299 = arith.constant 0 : i32
        %add3A_300 = arith.addi %mul3A_298, %add3A_299 : i32
        %get3A_301 = arith.constant 0 : i32
        %get3A_302 = arith.constant 0 : i32
        %get3A_303 = tpu.memref_slice %arg4[%scan3A_223, %get3A_301, %get3A_302] : memref<2x168x128xf32, #tpu.memory_space<vmem>> -> memref<1x168x128xf32, #tpu.memory_space<vmem>>
        %get3A_304 = tpu.memref_squeeze %get3A_303 : memref<1x168x128xf32, #tpu.memory_space<vmem>> -> memref<168x128xf32, #tpu.memory_space<vmem>>
        %get3A_305 = arith.index_cast %add3A_300 : i32 to index
        %get3A_306 = arith.constant 64 : index
        %get3A_307 = tpu.vector_load %get3A_304[%get3A_305, %get3A_306] {strides = array<i32>} : memref<168x128xf32, #tpu.memory_space<vmem>>, vector<1x16xf32>,
        %get3A_308 = vector.shape_cast %get3A_307 : vector<1x16xf32> to vector<16xf32>
        %add3A_309 = arith.addf %scan3A_242, %get3A_308 : vector<16xf32>
        %mul3A_310 = arith.constant 4 : i32
        %mul3A_311 = arith.muli %scan3A_237, %mul3A_310 : i32
        %add3A_312 = arith.constant 0 : i32
        %add3A_313 = arith.addi %mul3A_311, %add3A_312 : i32
        %get3A_314 = arith.constant 0 : i32
        %get3A_315 = arith.constant 0 : i32
        %get3A_316 = tpu.memref_slice %arg4[%scan3A_223, %get3A_314, %get3A_315] : memref<2x168x128xf32, #tpu.memory_space<vmem>> -> memref<1x168x128xf32, #tpu.memory_space<vmem>>
        %get3A_317 = tpu.memref_squeeze %get3A_316 : memref<1x168x128xf32, #tpu.memory_space<vmem>> -> memref<168x128xf32, #tpu.memory_space<vmem>>
        %get3A_318 = arith.index_cast %add3A_313 : i32 to index
        %get3A_319 = arith.constant 80 : index
        %get3A_320 = tpu.vector_load %get3A_317[%get3A_318, %get3A_319] {strides = array<i32>} : memref<168x128xf32, #tpu.memory_space<vmem>>, vector<1x16xf32>,
        %get3A_321 = vector.shape_cast %get3A_320 : vector<1x16xf32> to vector<16xf32>
        %add3A_322 = arith.addf %scan3A_243, %get3A_321 : vector<16xf32>
        %mul3A_323 = arith.constant 4 : i32
        %mul3A_324 = arith.muli %scan3A_237, %mul3A_323 : i32
        %add3A_325 = arith.constant 0 : i32
        %add3A_326 = arith.addi %mul3A_324, %add3A_325 : i32
        %get3A_327 = arith.constant 0 : i32
        %get3A_328 = arith.constant 0 : i32
        %get3A_329 = tpu.memref_slice %arg4[%scan3A_223, %get3A_327, %get3A_328] : memref<2x168x128xf32, #tpu.memory_space<vmem>> -> memref<1x168x128xf32, #tpu.memory_space<vmem>>
        %get3A_330 = tpu.memref_squeeze %get3A_329 : memref<1x168x128xf32, #tpu.memory_space<vmem>> -> memref<168x128xf32, #tpu.memory_space<vmem>>
        %get3A_331 = arith.index_cast %add3A_326 : i32 to index
        %get3A_332 = arith.constant 96 : index
        %get3A_333 = tpu.vector_load %get3A_330[%get3A_331, %get3A_332] {strides = array<i32>} : memref<168x128xf32, #tpu.memory_space<vmem>>, vector<1x16xf32>,
        %get3A_334 = vector.shape_cast %get3A_333 : vector<1x16xf32> to vector<16xf32>
        %add3A_335 = arith.addf %scan3A_244, %get3A_334 : vector<16xf32>
        %mul3A_336 = arith.constant 4 : i32
        %mul3A_337 = arith.muli %scan3A_237, %mul3A_336 : i32
        %add3A_338 = arith.constant 0 : i32
        %add3A_339 = arith.addi %mul3A_337, %add3A_338 : i32
        %get3A_340 = arith.constant 0 : i32
        %get3A_341 = arith.constant 0 : i32
        %get3A_342 = tpu.memref_slice %arg4[%scan3A_223, %get3A_340, %get3A_341] : memref<2x168x128xf32, #tpu.memory_space<vmem>> -> memref<1x168x128xf32, #tpu.memory_space<vmem>>
        %get3A_343 = tpu.memref_squeeze %get3A_342 : memref<1x168x128xf32, #tpu.memory_space<vmem>> -> memref<168x128xf32, #tpu.memory_space<vmem>>
        %get3A_344 = arith.index_cast %add3A_339 : i32 to index
        %get3A_345 = arith.constant 112 : index
        %get3A_346 = tpu.vector_load %get3A_343[%get3A_344, %get3A_345] {strides = array<i32>} : memref<168x128xf32, #tpu.memory_space<vmem>>, vector<1x16xf32>,
        %get3A_347 = vector.shape_cast %get3A_346 : vector<1x16xf32> to vector<16xf32>
        %add3A_348 = arith.addf %scan3A_245, %get3A_347 : vector<16xf32>
        %mul3A_349 = arith.constant 4 : i32
        %mul3A_350 = arith.muli %scan3A_237, %mul3A_349 : i32
        %add3A_351 = arith.constant 1 : i32
        %add3A_352 = arith.addi %mul3A_350, %add3A_351 : i32
        %get3A_353 = arith.constant 0 : i32
        %get3A_354 = arith.constant 0 : i32
        %get3A_355 = tpu.memref_slice %arg4[%scan3A_223, %get3A_353, %get3A_354] : memref<2x168x128xf32, #tpu.memory_space<vmem>> -> memref<1x168x128xf32, #tpu.memory_space<vmem>>
        %get3A_356 = tpu.memref_squeeze %get3A_355 : memref<1x168x128xf32, #tpu.memory_space<vmem>> -> memref<168x128xf32, #tpu.memory_space<vmem>>
        %get3A_357 = arith.index_cast %add3A_352 : i32 to index
        %get3A_358 = arith.constant 0 : index
        %get3A_359 = tpu.vector_load %get3A_356[%get3A_357, %get3A_358] {strides = array<i32>} : memref<168x128xf32, #tpu.memory_space<vmem>>, vector<1x16xf32>,
        %get3A_360 = vector.shape_cast %get3A_359 : vector<1x16xf32> to vector<16xf32>
        %add3A_361 = arith.addf %add3A_257, %get3A_360 : vector<16xf32>
        %mul3A_362 = arith.constant 4 : i32
        %mul3A_363 = arith.muli %scan3A_237, %mul3A_362 : i32
        %add3A_364 = arith.constant 1 : i32
        %add3A_365 = arith.addi %mul3A_363, %add3A_364 : i32
        %get3A_366 = arith.constant 0 : i32
        %get3A_367 = arith.constant 0 : i32
        %get3A_368 = tpu.memref_slice %arg4[%scan3A_223, %get3A_366, %get3A_367] : memref<2x168x128xf32, #tpu.memory_space<vmem>> -> memref<1x168x128xf32, #tpu.memory_space<vmem>>
        %get3A_369 = tpu.memref_squeeze %get3A_368 : memref<1x168x128xf32, #tpu.memory_space<vmem>> -> memref<168x128xf32, #tpu.memory_space<vmem>>
        %get3A_370 = arith.index_cast %add3A_365 : i32 to index
        %get3A_371 = arith.constant 16 : index
        %get3A_372 = tpu.vector_load %get3A_369[%get3A_370, %get3A_371] {strides = array<i32>} : memref<168x128xf32, #tpu.memory_space<vmem>>, vector<1x16xf32>,
        %get3A_373 = vector.shape_cast %get3A_372 : vector<1x16xf32> to vector<16xf32>
        %add3A_374 = arith.addf %add3A_270, %get3A_373 : vector<16xf32>
        %mul3A_375 = arith.constant 4 : i32
        %mul3A_376 = arith.muli %scan3A_237, %mul3A_375 : i32
        %add3A_377 = arith.constant 1 : i32
        %add3A_378 = arith.addi %mul3A_376, %add3A_377 : i32
        %get3A_379 = arith.constant 0 : i32
        %get3A_380 = arith.constant 0 : i32
        %get3A_381 = tpu.memref_slice %arg4[%scan3A_223, %get3A_379, %get3A_380] : memref<2x168x128xf32, #tpu.memory_space<vmem>> -> memref<1x168x128xf32, #tpu.memory_space<vmem>>
        %get3A_382 = tpu.memref_squeeze %get3A_381 : memref<1x168x128xf32, #tpu.memory_space<vmem>> -> memref<168x128xf32, #tpu.memory_space<vmem>>
        %get3A_383 = arith.index_cast %add3A_378 : i32 to index
        %get3A_384 = arith.constant 32 : index
        %get3A_385 = tpu.vector_load %get3A_382[%get3A_383, %get3A_384] {strides = array<i32>} : memref<168x128xf32, #tpu.memory_space<vmem>>, vector<1x16xf32>,
        %get3A_386 = vector.shape_cast %get3A_385 : vector<1x16xf32> to vector<16xf32>
        %add3A_387 = arith.addf %add3A_283, %get3A_386 : vector<16xf32>
        %mul3A_388 = arith.constant 4 : i32
        %mul3A_389 = arith.muli %scan3A_237, %mul3A_388 : i32
        %add3A_390 = arith.constant 1 : i32
        %add3A_391 = arith.addi %mul3A_389, %add3A_390 : i32
        %get3A_392 = arith.constant 0 : i32
        %get3A_393 = arith.constant 0 : i32
        %get3A_394 = tpu.memref_slice %arg4[%scan3A_223, %get3A_392, %get3A_393] : memref<2x168x128xf32, #tpu.memory_space<vmem>> -> memref<1x168x128xf32, #tpu.memory_space<vmem>>
        %get3A_395 = tpu.memref_squeeze %get3A_394 : memref<1x168x128xf32, #tpu.memory_space<vmem>> -> memref<168x128xf32, #tpu.memory_space<vmem>>
        %get3A_396 = arith.index_cast %add3A_391 : i32 to index
        %get3A_397 = arith.constant 48 : index
        %get3A_398 = tpu.vector_load %get3A_395[%get3A_396, %get3A_397] {strides = array<i32>} : memref<168x128xf32, #tpu.memory_space<vmem>>, vector<1x16xf32>,
        %get3A_399 = vector.shape_cast %get3A_398 : vector<1x16xf32> to vector<16xf32>
        %add3A_400 = arith.addf %add3A_296, %get3A_399 : vector<16xf32>
        %mul3A_401 = arith.constant 4 : i32
        %mul3A_402 = arith.muli %scan3A_237, %mul3A_401 : i32
        %add3A_403 = arith.constant 1 : i32
        %add3A_404 = arith.addi %mul3A_402, %add3A_403 : i32
        %get3A_405 = arith.constant 0 : i32
        %get3A_406 = arith.constant 0 : i32
        %get3A_407 = tpu.memref_slice %arg4[%scan3A_223, %get3A_405, %get3A_406] : memref<2x168x128xf32, #tpu.memory_space<vmem>> -> memref<1x168x128xf32, #tpu.memory_space<vmem>>
        %get3A_408 = tpu.memref_squeeze %get3A_407 : memref<1x168x128xf32, #tpu.memory_space<vmem>> -> memref<168x128xf32, #tpu.memory_space<vmem>>
        %get3A_409 = arith.index_cast %add3A_404 : i32 to index
        %get3A_410 = arith.constant 64 : index
        %get3A_411 = tpu.vector_load %get3A_408[%get3A_409, %get3A_410] {strides = array<i32>} : memref<168x128xf32, #tpu.memory_space<vmem>>, vector<1x16xf32>,
        %get3A_412 = vector.shape_cast %get3A_411 : vector<1x16xf32> to vector<16xf32>
        %add3A_413 = arith.addf %add3A_309, %get3A_412 : vector<16xf32>
        %mul3A_414 = arith.constant 4 : i32
        %mul3A_415 = arith.muli %scan3A_237, %mul3A_414 : i32
        %add3A_416 = arith.constant 1 : i32
        %add3A_417 = arith.addi %mul3A_415, %add3A_416 : i32
        %get3A_418 = arith.constant 0 : i32
        %get3A_419 = arith.constant 0 : i32
        %get3A_420 = tpu.memref_slice %arg4[%scan3A_223, %get3A_418, %get3A_419] : memref<2x168x128xf32, #tpu.memory_space<vmem>> -> memref<1x168x128xf32, #tpu.memory_space<vmem>>
        %get3A_421 = tpu.memref_squeeze %get3A_420 : memref<1x168x128xf32, #tpu.memory_space<vmem>> -> memref<168x128xf32, #tpu.memory_space<vmem>>
        %get3A_422 = arith.index_cast %add3A_417 : i32 to index
        %get3A_423 = arith.constant 80 : index
        %get3A_424 = tpu.vector_load %get3A_421[%get3A_422, %get3A_423] {strides = array<i32>} : memref<168x128xf32, #tpu.memory_space<vmem>>, vector<1x16xf32>,
        %get3A_425 = vector.shape_cast %get3A_424 : vector<1x16xf32> to vector<16xf32>
        %add3A_426 = arith.addf %add3A_322, %get3A_425 : vector<16xf32>
        %mul3A_427 = arith.constant 4 : i32
        %mul3A_428 = arith.muli %scan3A_237, %mul3A_427 : i32
        %add3A_429 = arith.constant 1 : i32
        %add3A_430 = arith.addi %mul3A_428, %add3A_429 : i32
        %get3A_431 = arith.constant 0 : i32
        %get3A_432 = arith.constant 0 : i32
        %get3A_433 = tpu.memref_slice %arg4[%scan3A_223, %get3A_431, %get3A_432] : memref<2x168x128xf32, #tpu.memory_space<vmem>> -> memref<1x168x128xf32, #tpu.memory_space<vmem>>
        %get3A_434 = tpu.memref_squeeze %get3A_433 : memref<1x168x128xf32, #tpu.memory_space<vmem>> -> memref<168x128xf32, #tpu.memory_space<vmem>>
        %get3A_435 = arith.index_cast %add3A_430 : i32 to index
        %get3A_436 = arith.constant 96 : index
        %get3A_437 = tpu.vector_load %get3A_434[%get3A_435, %get3A_436] {strides = array<i32>} : memref<168x128xf32, #tpu.memory_space<vmem>>, vector<1x16xf32>,
        %get3A_438 = vector.shape_cast %get3A_437 : vector<1x16xf32> to vector<16xf32>
        %add3A_439 = arith.addf %add3A_335, %get3A_438 : vector<16xf32>
        %mul3A_440 = arith.constant 4 : i32
        %mul3A_441 = arith.muli %scan3A_237, %mul3A_440 : i32
        %add3A_442 = arith.constant 1 : i32
        %add3A_443 = arith.addi %mul3A_441, %add3A_442 : i32
        %get3A_444 = arith.constant 0 : i32
        %get3A_445 = arith.constant 0 : i32
        %get3A_446 = tpu.memref_slice %arg4[%scan3A_223, %get3A_444, %get3A_445] : memref<2x168x128xf32, #tpu.memory_space<vmem>> -> memref<1x168x128xf32, #tpu.memory_space<vmem>>
        %get3A_447 = tpu.memref_squeeze %get3A_446 : memref<1x168x128xf32, #tpu.memory_space<vmem>> -> memref<168x128xf32, #tpu.memory_space<vmem>>
        %get3A_448 = arith.index_cast %add3A_443 : i32 to index
        %get3A_449 = arith.constant 112 : index
        %get3A_450 = tpu.vector_load %get3A_447[%get3A_448, %get3A_449] {strides = array<i32>} : memref<168x128xf32, #tpu.memory_space<vmem>>, vector<1x16xf32>,
        %get3A_451 = vector.shape_cast %get3A_450 : vector<1x16xf32> to vector<16xf32>
        %add3A_452 = arith.addf %add3A_348, %get3A_451 : vector<16xf32>
        %mul3A_453 = arith.constant 4 : i32
        %mul3A_454 = arith.muli %scan3A_237, %mul3A_453 : i32
        %add3A_455 = arith.constant 2 : i32
        %add3A_456 = arith.addi %mul3A_454, %add3A_455 : i32
        %get3A_457 = arith.constant 0 : i32
        %get3A_458 = arith.constant 0 : i32
        %get3A_459 = tpu.memref_slice %arg4[%scan3A_223, %get3A_457, %get3A_458] : memref<2x168x128xf32, #tpu.memory_space<vmem>> -> memref<1x168x128xf32, #tpu.memory_space<vmem>>
        %get3A_460 = tpu.memref_squeeze %get3A_459 : memref<1x168x128xf32, #tpu.memory_space<vmem>> -> memref<168x128xf32, #tpu.memory_space<vmem>>
        %get3A_461 = arith.index_cast %add3A_456 : i32 to index
        %get3A_462 = arith.constant 0 : index
        %get3A_463 = tpu.vector_load %get3A_460[%get3A_461, %get3A_462] {strides = array<i32>} : memref<168x128xf32, #tpu.memory_space<vmem>>, vector<1x16xf32>,
        %get3A_464 = vector.shape_cast %get3A_463 : vector<1x16xf32> to vector<16xf32>
        %add3A_465 = arith.addf %add3A_361, %get3A_464 : vector<16xf32>
        %mul3A_466 = arith.constant 4 : i32
        %mul3A_467 = arith.muli %scan3A_237, %mul3A_466 : i32
        %add3A_468 = arith.constant 2 : i32
        %add3A_469 = arith.addi %mul3A_467, %add3A_468 : i32
        %get3A_470 = arith.constant 0 : i32
        %get3A_471 = arith.constant 0 : i32
        %get3A_472 = tpu.memref_slice %arg4[%scan3A_223, %get3A_470, %get3A_471] : memref<2x168x128xf32, #tpu.memory_space<vmem>> -> memref<1x168x128xf32, #tpu.memory_space<vmem>>
        %get3A_473 = tpu.memref_squeeze %get3A_472 : memref<1x168x128xf32, #tpu.memory_space<vmem>> -> memref<168x128xf32, #tpu.memory_space<vmem>>
        %get3A_474 = arith.index_cast %add3A_469 : i32 to index
        %get3A_475 = arith.constant 16 : index
        %get3A_476 = tpu.vector_load %get3A_473[%get3A_474, %get3A_475] {strides = array<i32>} : memref<168x128xf32, #tpu.memory_space<vmem>>, vector<1x16xf32>,
        %get3A_477 = vector.shape_cast %get3A_476 : vector<1x16xf32> to vector<16xf32>
        %add3A_478 = arith.addf %add3A_374, %get3A_477 : vector<16xf32>
        %mul3A_479 = arith.constant 4 : i32
        %mul3A_480 = arith.muli %scan3A_237, %mul3A_479 : i32
        %add3A_481 = arith.constant 2 : i32
        %add3A_482 = arith.addi %mul3A_480, %add3A_481 : i32
        %get3A_483 = arith.constant 0 : i32
        %get3A_484 = arith.constant 0 : i32
        %get3A_485 = tpu.memref_slice %arg4[%scan3A_223, %get3A_483, %get3A_484] : memref<2x168x128xf32, #tpu.memory_space<vmem>> -> memref<1x168x128xf32, #tpu.memory_space<vmem>>
        %get3A_486 = tpu.memref_squeeze %get3A_485 : memref<1x168x128xf32, #tpu.memory_space<vmem>> -> memref<168x128xf32, #tpu.memory_space<vmem>>
        %get3A_487 = arith.index_cast %add3A_482 : i32 to index
        %get3A_488 = arith.constant 32 : index
        %get3A_489 = tpu.vector_load %get3A_486[%get3A_487, %get3A_488] {strides = array<i32>} : memref<168x128xf32, #tpu.memory_space<vmem>>, vector<1x16xf32>,
        %get3A_490 = vector.shape_cast %get3A_489 : vector<1x16xf32> to vector<16xf32>
        %add3A_491 = arith.addf %add3A_387, %get3A_490 : vector<16xf32>
        %mul3A_492 = arith.constant 4 : i32
        %mul3A_493 = arith.muli %scan3A_237, %mul3A_492 : i32
        %add3A_494 = arith.constant 2 : i32
        %add3A_495 = arith.addi %mul3A_493, %add3A_494 : i32
        %get3A_496 = arith.constant 0 : i32
        %get3A_497 = arith.constant 0 : i32
        %get3A_498 = tpu.memref_slice %arg4[%scan3A_223, %get3A_496, %get3A_497] : memref<2x168x128xf32, #tpu.memory_space<vmem>> -> memref<1x168x128xf32, #tpu.memory_space<vmem>>
        %get3A_499 = tpu.memref_squeeze %get3A_498 : memref<1x168x128xf32, #tpu.memory_space<vmem>> -> memref<168x128xf32, #tpu.memory_space<vmem>>
        %get3A_500 = arith.index_cast %add3A_495 : i32 to index
        %get3A_501 = arith.constant 48 : index
        %get3A_502 = tpu.vector_load %get3A_499[%get3A_500, %get3A_501] {strides = array<i32>} : memref<168x128xf32, #tpu.memory_space<vmem>>, vector<1x16xf32>,
        %get3A_503 = vector.shape_cast %get3A_502 : vector<1x16xf32> to vector<16xf32>
        %add3A_504 = arith.addf %add3A_400, %get3A_503 : vector<16xf32>
        %mul3A_505 = arith.constant 4 : i32
        %mul3A_506 = arith.muli %scan3A_237, %mul3A_505 : i32
        %add3A_507 = arith.constant 2 : i32
        %add3A_508 = arith.addi %mul3A_506, %add3A_507 : i32
        %get3A_509 = arith.constant 0 : i32
        %get3A_510 = arith.constant 0 : i32
        %get3A_511 = tpu.memref_slice %arg4[%scan3A_223, %get3A_509, %get3A_510] : memref<2x168x128xf32, #tpu.memory_space<vmem>> -> memref<1x168x128xf32, #tpu.memory_space<vmem>>
        %get3A_512 = tpu.memref_squeeze %get3A_511 : memref<1x168x128xf32, #tpu.memory_space<vmem>> -> memref<168x128xf32, #tpu.memory_space<vmem>>
        %get3A_513 = arith.index_cast %add3A_508 : i32 to index
        %get3A_514 = arith.constant 64 : index
        %get3A_515 = tpu.vector_load %get3A_512[%get3A_513, %get3A_514] {strides = array<i32>} : memref<168x128xf32, #tpu.memory_space<vmem>>, vector<1x16xf32>,
        %get3A_516 = vector.shape_cast %get3A_515 : vector<1x16xf32> to vector<16xf32>
        %add3A_517 = arith.addf %add3A_413, %get3A_516 : vector<16xf32>
        %mul3A_518 = arith.constant 4 : i32
        %mul3A_519 = arith.muli %scan3A_237, %mul3A_518 : i32
        %add3A_520 = arith.constant 2 : i32
        %add3A_521 = arith.addi %mul3A_519, %add3A_520 : i32
        %get3A_522 = arith.constant 0 : i32
        %get3A_523 = arith.constant 0 : i32
        %get3A_524 = tpu.memref_slice %arg4[%scan3A_223, %get3A_522, %get3A_523] : memref<2x168x128xf32, #tpu.memory_space<vmem>> -> memref<1x168x128xf32, #tpu.memory_space<vmem>>
        %get3A_525 = tpu.memref_squeeze %get3A_524 : memref<1x168x128xf32, #tpu.memory_space<vmem>> -> memref<168x128xf32, #tpu.memory_space<vmem>>
        %get3A_526 = arith.index_cast %add3A_521 : i32 to index
        %get3A_527 = arith.constant 80 : index
        %get3A_528 = tpu.vector_load %get3A_525[%get3A_526, %get3A_527] {strides = array<i32>} : memref<168x128xf32, #tpu.memory_space<vmem>>, vector<1x16xf32>,
        %get3A_529 = vector.shape_cast %get3A_528 : vector<1x16xf32> to vector<16xf32>
        %add3A_530 = arith.addf %add3A_426, %get3A_529 : vector<16xf32>
        %mul3A_531 = arith.constant 4 : i32
        %mul3A_532 = arith.muli %scan3A_237, %mul3A_531 : i32
        %add3A_533 = arith.constant 2 : i32
        %add3A_534 = arith.addi %mul3A_532, %add3A_533 : i32
        %get3A_535 = arith.constant 0 : i32
        %get3A_536 = arith.constant 0 : i32
        %get3A_537 = tpu.memref_slice %arg4[%scan3A_223, %get3A_535, %get3A_536] : memref<2x168x128xf32, #tpu.memory_space<vmem>> -> memref<1x168x128xf32, #tpu.memory_space<vmem>>
        %get3A_538 = tpu.memref_squeeze %get3A_537 : memref<1x168x128xf32, #tpu.memory_space<vmem>> -> memref<168x128xf32, #tpu.memory_space<vmem>>
        %get3A_539 = arith.index_cast %add3A_534 : i32 to index
        %get3A_540 = arith.constant 96 : index
        %get3A_541 = tpu.vector_load %get3A_538[%get3A_539, %get3A_540] {strides = array<i32>} : memref<168x128xf32, #tpu.memory_space<vmem>>, vector<1x16xf32>,
        %get3A_542 = vector.shape_cast %get3A_541 : vector<1x16xf32> to vector<16xf32>
        %add3A_543 = arith.addf %add3A_439, %get3A_542 : vector<16xf32>
        %mul3A_544 = arith.constant 4 : i32
        %mul3A_545 = arith.muli %scan3A_237, %mul3A_544 : i32
        %add3A_546 = arith.constant 2 : i32
        %add3A_547 = arith.addi %mul3A_545, %add3A_546 : i32
        %get3A_548 = arith.constant 0 : i32
        %get3A_549 = arith.constant 0 : i32
        %get3A_550 = tpu.memref_slice %arg4[%scan3A_223, %get3A_548, %get3A_549] : memref<2x168x128xf32, #tpu.memory_space<vmem>> -> memref<1x168x128xf32, #tpu.memory_space<vmem>>
        %get3A_551 = tpu.memref_squeeze %get3A_550 : memref<1x168x128xf32, #tpu.memory_space<vmem>> -> memref<168x128xf32, #tpu.memory_space<vmem>>
        %get3A_552 = arith.index_cast %add3A_547 : i32 to index
        %get3A_553 = arith.constant 112 : index
        %get3A_554 = tpu.vector_load %get3A_551[%get3A_552, %get3A_553] {strides = array<i32>} : memref<168x128xf32, #tpu.memory_space<vmem>>, vector<1x16xf32>,
        %get3A_555 = vector.shape_cast %get3A_554 : vector<1x16xf32> to vector<16xf32>
        %add3A_556 = arith.addf %add3A_452, %get3A_555 : vector<16xf32>
        %mul3A_557 = arith.constant 4 : i32
        %mul3A_558 = arith.muli %scan3A_237, %mul3A_557 : i32
        %add3A_559 = arith.constant 3 : i32
        %add3A_560 = arith.addi %mul3A_558, %add3A_559 : i32
        %get3A_561 = arith.constant 0 : i32
        %get3A_562 = arith.constant 0 : i32
        %get3A_563 = tpu.memref_slice %arg4[%scan3A_223, %get3A_561, %get3A_562] : memref<2x168x128xf32, #tpu.memory_space<vmem>> -> memref<1x168x128xf32, #tpu.memory_space<vmem>>
        %get3A_564 = tpu.memref_squeeze %get3A_563 : memref<1x168x128xf32, #tpu.memory_space<vmem>> -> memref<168x128xf32, #tpu.memory_space<vmem>>
        %get3A_565 = arith.index_cast %add3A_560 : i32 to index
        %get3A_566 = arith.constant 0 : index
        %get3A_567 = tpu.vector_load %get3A_564[%get3A_565, %get3A_566] {strides = array<i32>} : memref<168x128xf32, #tpu.memory_space<vmem>>, vector<1x16xf32>,
        %get3A_568 = vector.shape_cast %get3A_567 : vector<1x16xf32> to vector<16xf32>
        %add3A_569 = arith.addf %add3A_465, %get3A_568 : vector<16xf32>
        %mul3A_570 = arith.constant 4 : i32
        %mul3A_571 = arith.muli %scan3A_237, %mul3A_570 : i32
        %add3A_572 = arith.constant 3 : i32
        %add3A_573 = arith.addi %mul3A_571, %add3A_572 : i32
        %get3A_574 = arith.constant 0 : i32
        %get3A_575 = arith.constant 0 : i32
        %get3A_576 = tpu.memref_slice %arg4[%scan3A_223, %get3A_574, %get3A_575] : memref<2x168x128xf32, #tpu.memory_space<vmem>> -> memref<1x168x128xf32, #tpu.memory_space<vmem>>
        %get3A_577 = tpu.memref_squeeze %get3A_576 : memref<1x168x128xf32, #tpu.memory_space<vmem>> -> memref<168x128xf32, #tpu.memory_space<vmem>>
        %get3A_578 = arith.index_cast %add3A_573 : i32 to index
        %get3A_579 = arith.constant 16 : index
        %get3A_580 = tpu.vector_load %get3A_577[%get3A_578, %get3A_579] {strides = array<i32>} : memref<168x128xf32, #tpu.memory_space<vmem>>, vector<1x16xf32>,
        %get3A_581 = vector.shape_cast %get3A_580 : vector<1x16xf32> to vector<16xf32>
        %add3A_582 = arith.addf %add3A_478, %get3A_581 : vector<16xf32>
        %mul3A_583 = arith.constant 4 : i32
        %mul3A_584 = arith.muli %scan3A_237, %mul3A_583 : i32
        %add3A_585 = arith.constant 3 : i32
        %add3A_586 = arith.addi %mul3A_584, %add3A_585 : i32
        %get3A_587 = arith.constant 0 : i32
        %get3A_588 = arith.constant 0 : i32
        %get3A_589 = tpu.memref_slice %arg4[%scan3A_223, %get3A_587, %get3A_588] : memref<2x168x128xf32, #tpu.memory_space<vmem>> -> memref<1x168x128xf32, #tpu.memory_space<vmem>>
        %get3A_590 = tpu.memref_squeeze %get3A_589 : memref<1x168x128xf32, #tpu.memory_space<vmem>> -> memref<168x128xf32, #tpu.memory_space<vmem>>
        %get3A_591 = arith.index_cast %add3A_586 : i32 to index
        %get3A_592 = arith.constant 32 : index
        %get3A_593 = tpu.vector_load %get3A_590[%get3A_591, %get3A_592] {strides = array<i32>} : memref<168x128xf32, #tpu.memory_space<vmem>>, vector<1x16xf32>,
        %get3A_594 = vector.shape_cast %get3A_593 : vector<1x16xf32> to vector<16xf32>
        %add3A_595 = arith.addf %add3A_491, %get3A_594 : vector<16xf32>
        %mul3A_596 = arith.constant 4 : i32
        %mul3A_597 = arith.muli %scan3A_237, %mul3A_596 : i32
        %add3A_598 = arith.constant 3 : i32
        %add3A_599 = arith.addi %mul3A_597, %add3A_598 : i32
        %get3A_600 = arith.constant 0 : i32
        %get3A_601 = arith.constant 0 : i32
        %get3A_602 = tpu.memref_slice %arg4[%scan3A_223, %get3A_600, %get3A_601] : memref<2x168x128xf32, #tpu.memory_space<vmem>> -> memref<1x168x128xf32, #tpu.memory_space<vmem>>
        %get3A_603 = tpu.memref_squeeze %get3A_602 : memref<1x168x128xf32, #tpu.memory_space<vmem>> -> memref<168x128xf32, #tpu.memory_space<vmem>>
        %get3A_604 = arith.index_cast %add3A_599 : i32 to index
        %get3A_605 = arith.constant 48 : index
        %get3A_606 = tpu.vector_load %get3A_603[%get3A_604, %get3A_605] {strides = array<i32>} : memref<168x128xf32, #tpu.memory_space<vmem>>, vector<1x16xf32>,
        %get3A_607 = vector.shape_cast %get3A_606 : vector<1x16xf32> to vector<16xf32>
        %add3A_608 = arith.addf %add3A_504, %get3A_607 : vector<16xf32>
        %mul3A_609 = arith.constant 4 : i32
        %mul3A_610 = arith.muli %scan3A_237, %mul3A_609 : i32
        %add3A_611 = arith.constant 3 : i32
        %add3A_612 = arith.addi %mul3A_610, %add3A_611 : i32
        %get3A_613 = arith.constant 0 : i32
        %get3A_614 = arith.constant 0 : i32
        %get3A_615 = tpu.memref_slice %arg4[%scan3A_223, %get3A_613, %get3A_614] : memref<2x168x128xf32, #tpu.memory_space<vmem>> -> memref<1x168x128xf32, #tpu.memory_space<vmem>>
        %get3A_616 = tpu.memref_squeeze %get3A_615 : memref<1x168x128xf32, #tpu.memory_space<vmem>> -> memref<168x128xf32, #tpu.memory_space<vmem>>
        %get3A_617 = arith.index_cast %add3A_612 : i32 to index
        %get3A_618 = arith.constant 64 : index
        %get3A_619 = tpu.vector_load %get3A_616[%get3A_617, %get3A_618] {strides = array<i32>} : memref<168x128xf32, #tpu.memory_space<vmem>>, vector<1x16xf32>,
        %get3A_620 = vector.shape_cast %get3A_619 : vector<1x16xf32> to vector<16xf32>
        %add3A_621 = arith.addf %add3A_517, %get3A_620 : vector<16xf32>
        %mul3A_622 = arith.constant 4 : i32
        %mul3A_623 = arith.muli %scan3A_237, %mul3A_622 : i32
        %add3A_624 = arith.constant 3 : i32
        %add3A_625 = arith.addi %mul3A_623, %add3A_624 : i32
        %get3A_626 = arith.constant 0 : i32
        %get3A_627 = arith.constant 0 : i32
        %get3A_628 = tpu.memref_slice %arg4[%scan3A_223, %get3A_626, %get3A_627] : memref<2x168x128xf32, #tpu.memory_space<vmem>> -> memref<1x168x128xf32, #tpu.memory_space<vmem>>
        %get3A_629 = tpu.memref_squeeze %get3A_628 : memref<1x168x128xf32, #tpu.memory_space<vmem>> -> memref<168x128xf32, #tpu.memory_space<vmem>>
        %get3A_630 = arith.index_cast %add3A_625 : i32 to index
        %get3A_631 = arith.constant 80 : index
        %get3A_632 = tpu.vector_load %get3A_629[%get3A_630, %get3A_631] {strides = array<i32>} : memref<168x128xf32, #tpu.memory_space<vmem>>, vector<1x16xf32>,
        %get3A_633 = vector.shape_cast %get3A_632 : vector<1x16xf32> to vector<16xf32>
        %add3A_634 = arith.addf %add3A_530, %get3A_633 : vector<16xf32>
        %mul3A_635 = arith.constant 4 : i32
        %mul3A_636 = arith.muli %scan3A_237, %mul3A_635 : i32
        %add3A_637 = arith.constant 3 : i32
        %add3A_638 = arith.addi %mul3A_636, %add3A_637 : i32
        %get3A_639 = arith.constant 0 : i32
        %get3A_640 = arith.constant 0 : i32
        %get3A_641 = tpu.memref_slice %arg4[%scan3A_223, %get3A_639, %get3A_640] : memref<2x168x128xf32, #tpu.memory_space<vmem>> -> memref<1x168x128xf32, #tpu.memory_space<vmem>>
        %get3A_642 = tpu.memref_squeeze %get3A_641 : memref<1x168x128xf32, #tpu.memory_space<vmem>> -> memref<168x128xf32, #tpu.memory_space<vmem>>
        %get3A_643 = arith.index_cast %add3A_638 : i32 to index
        %get3A_644 = arith.constant 96 : index
        %get3A_645 = tpu.vector_load %get3A_642[%get3A_643, %get3A_644] {strides = array<i32>} : memref<168x128xf32, #tpu.memory_space<vmem>>, vector<1x16xf32>,
        %get3A_646 = vector.shape_cast %get3A_645 : vector<1x16xf32> to vector<16xf32>
        %add3A_647 = arith.addf %add3A_543, %get3A_646 : vector<16xf32>
        %mul3A_648 = arith.constant 4 : i32
        %mul3A_649 = arith.muli %scan3A_237, %mul3A_648 : i32
        %add3A_650 = arith.constant 3 : i32
        %add3A_651 = arith.addi %mul3A_649, %add3A_650 : i32
        %get3A_652 = arith.constant 0 : i32
        %get3A_653 = arith.constant 0 : i32
        %get3A_654 = tpu.memref_slice %arg4[%scan3A_223, %get3A_652, %get3A_653] : memref<2x168x128xf32, #tpu.memory_space<vmem>> -> memref<1x168x128xf32, #tpu.memory_space<vmem>>
        %get3A_655 = tpu.memref_squeeze %get3A_654 : memref<1x168x128xf32, #tpu.memory_space<vmem>> -> memref<168x128xf32, #tpu.memory_space<vmem>>
        %get3A_656 = arith.index_cast %add3A_651 : i32 to index
        %get3A_657 = arith.constant 112 : index
        %get3A_658 = tpu.vector_load %get3A_655[%get3A_656, %get3A_657] {strides = array<i32>} : memref<168x128xf32, #tpu.memory_space<vmem>>, vector<1x16xf32>,
        %get3A_659 = vector.shape_cast %get3A_658 : vector<1x16xf32> to vector<16xf32>
        %add3A_660 = arith.addf %add3A_556, %get3A_659 : vector<16xf32>
        scf.yield %add3A_569, %add3A_582, %add3A_595, %add3A_608, %add3A_621, %add3A_634, %add3A_647, %add3A_660 : vector<16xf32>, vector<16xf32>, vector<16xf32>, vector<16xf32>, vector<16xf32>, vector<16xf32>, vector<16xf32>, vector<16xf32>
      }
      %scan3A_229 = arith.constant 42 : i32
      %add3A_230 = arith.constant 2 : i32
      %add3A_231 = arith.addi %add3A_205, %add3A_230 : i32
      %lt3A_232 = arith.constant 12 : i32
      %lt3A_233 = arith.cmpi slt, %add3A_231, %lt3A_232 : i32
      %convert_element_type3A_234 = arith.extui %lt3A_233 : i1 to i32
      %cond3A_235 = arith.constant 0 : i32
      %cond3A_236 = arith.cmpi ne, %convert_element_type3A_234, %cond3A_235 : i32
      scf.if %cond3A_236 {
        %add3A_237 = arith.constant 2 : i32
        %add3A_238 = arith.addi %add3A_205, %add3A_237 : i32
        %mul3A_239 = arith.constant 168 : i32
        %mul3A_240 = arith.muli %add3A_238, %mul3A_239 : i32
        %add3A_241 = arith.addi %mul3A_34, %mul3A_240 : i32
        %dma_start3A_242 = arith.constant 1 : i32
        %dma_start3A_243 = arith.constant 0 : i32
        %dma_start3A_244 = arith.constant 0 : i32
        %dma_start3A_245 = tpu.memref_slice %arg4[%dma_start3A_242, %dma_start3A_243, %dma_start3A_244] : memref<2x168x128xf32, #tpu.memory_space<vmem>> -> memref<1x168x128xf32, #tpu.memory_space<vmem>>
        %dma_start3A_246 = tpu.memref_squeeze %dma_start3A_245 : memref<1x168x128xf32, #tpu.memory_space<vmem>> -> memref<168x128xf32, #tpu.memory_space<vmem>>
        %dma_start3A_247 = arith.constant 0 : i32
        %dma_start3A_248 = tpu.memref_slice %arg2[%add3A_18, %add3A_241, %dma_start3A_247] : memref<16x8732x128xf32, #tpu.memory_space<hbm>> -> memref<1x168x128xf32, #tpu.memory_space<hbm>>
        %dma_start3A_249 = tpu.memref_squeeze %dma_start3A_248 : memref<1x168x128xf32, #tpu.memory_space<hbm>> -> memref<168x128xf32, #tpu.memory_space<hbm>>
        %dma_start3A_250 = arith.constant 0 : i32
        %dma_start3A_251 = arith.constant 0 : i32
        %dma_start3A_252 = tpu.memref_slice %arg4[%dma_start3A_242, %dma_start3A_250, %dma_start3A_251] : memref<2x168x128xf32, #tpu.memory_space<vmem>> -> memref<1x168x128xf32, #tpu.memory_space<vmem>>
        %dma_start3A_253 = tpu.memref_squeeze %dma_start3A_252 : memref<1x168x128xf32, #tpu.memory_space<vmem>> -> memref<168x128xf32, #tpu.memory_space<vmem>>
        %dma_start3A_254 = arith.constant 0 : i32
        %dma_start3A_255 = tpu.memref_slice %arg2[%add3A_18, %add3A_241, %dma_start3A_254] : memref<16x8732x128xf32, #tpu.memory_space<hbm>> -> memref<1x168x128xf32, #tpu.memory_space<hbm>>
        %dma_start3A_256 = tpu.memref_squeeze %dma_start3A_255 : memref<1x168x128xf32, #tpu.memory_space<hbm>> -> memref<168x128xf32, #tpu.memory_space<hbm>>
        tpu.enqueue_dma source(%dma_start3A_256 : memref<168x128xf32, #tpu.memory_space<hbm>>) target(%dma_start3A_253 : memref<168x128xf32, #tpu.memory_space<vmem>>) target_semaphore(%arg9 : memref<!tpu.dma_semaphore, #tpu.memory_space<semaphore_mem>>)
      } else {
      }
      scf.yield %scan3A_228#0, %scan3A_228#1, %scan3A_228#2, %scan3A_228#3, %scan3A_228#4, %scan3A_228#5, %scan3A_228#6, %scan3A_228#7 : vector<16xf32>, vector<16xf32>, vector<16xf32>, vector<16xf32>, vector<16xf32>, vector<16xf32>, vector<16xf32>, vector<16xf32>
    }
    %scan3A_81 = arith.constant 6 : i32
    %lt3A_82 = arith.constant 3 : i32
    %lt3A_83 = arith.cmpi slt, %select_n3A_32, %lt3A_82 : i32
    %convert_element_type3A_84 = arith.extui %lt3A_83 : i1 to i32
    %cond3A_85 = arith.constant 0 : i32
    %cond3A_86 = arith.cmpi ne, %convert_element_type3A_84, %cond3A_85 : i32
    scf.if %cond3A_86 {
      %dma_wait3A = arith.constant 0 : i32
      %dma_wait3A_159 = arith.constant 0 : i32
      %dma_wait3A_160 = tpu.memref_slice %arg2[%add3A_18, %dma_wait3A, %dma_wait3A_159] : memref<16x8732x128xf32, #tpu.memory_space<hbm>> -> memref<1x168x128xf32, #tpu.memory_space<hbm>>
      %dma_wait3A_161 = tpu.memref_squeeze %dma_wait3A_160 : memref<1x168x128xf32, #tpu.memory_space<hbm>> -> memref<168x128xf32, #tpu.memory_space<hbm>>
      %dma_wait3A_162 = arith.constant 0 : i32
      %dma_wait3A_163 = arith.constant 0 : i32
      %dma_wait3A_164 = tpu.memref_slice %arg2[%add3A_18, %dma_wait3A_162, %dma_wait3A_163] : memref<16x8732x128xf32, #tpu.memory_space<hbm>> -> memref<1x168x128xf32, #tpu.memory_space<hbm>>
      %dma_wait3A_165 = tpu.memref_squeeze %dma_wait3A_164 : memref<1x168x128xf32, #tpu.memory_space<hbm>> -> memref<168x128xf32, #tpu.memory_space<hbm>>
      tpu.wait_dma2 semaphore(%arg10 : memref<!tpu.dma_semaphore, #tpu.memory_space<semaphore_mem>>) src(%dma_wait3A_165 : memref<168x128xf32, #tpu.memory_space<hbm>>) dst(%arg5 : memref<168x128xf32, #tpu.memory_space<vmem>>)
    } else {
    }
    %eq3A_87 = arith.constant 3 : i32
    %eq3A_88 = arith.cmpi eq, %select_n3A_32, %eq3A_87 : i32
    %convert_element_type3A_89 = arith.extui %eq3A_88 : i1 to i32
    %cond3A_90 = arith.constant 0 : i32
    %cond3A_91 = arith.cmpi ne, %convert_element_type3A_89, %cond3A_90 : i32
    scf.if %cond3A_91 {
      %dma_wait3A = arith.constant 0 : i32
      %dma_wait3A_159 = arith.constant 0 : i32
      %dma_wait3A_160 = tpu.memref_slice %arg2[%add3A_18, %dma_wait3A, %dma_wait3A_159] : memref<16x8732x128xf32, #tpu.memory_space<hbm>> -> memref<1x160x128xf32, #tpu.memory_space<hbm>>
      %dma_wait3A_161 = tpu.memref_squeeze %dma_wait3A_160 : memref<1x160x128xf32, #tpu.memory_space<hbm>> -> memref<160x128xf32, #tpu.memory_space<hbm>>
      %dma_wait3A_162 = arith.constant 0 : i32
      %dma_wait3A_163 = arith.constant 0 : i32
      %dma_wait3A_164 = tpu.memref_slice %arg2[%add3A_18, %dma_wait3A_162, %dma_wait3A_163] : memref<16x8732x128xf32, #tpu.memory_space<hbm>> -> memref<1x160x128xf32, #tpu.memory_space<hbm>>
      %dma_wait3A_165 = tpu.memref_squeeze %dma_wait3A_164 : memref<1x160x128xf32, #tpu.memory_space<hbm>> -> memref<160x128xf32, #tpu.memory_space<hbm>>
      tpu.wait_dma2 semaphore(%arg10 : memref<!tpu.dma_semaphore, #tpu.memory_space<semaphore_mem>>) src(%dma_wait3A_165 : memref<160x128xf32, #tpu.memory_space<hbm>>) dst(%arg6 : memref<160x128xf32, #tpu.memory_space<vmem>>)
    } else {
    }
    %scan3A_92 = arith.constant 0 : i32
    %scan3A_93 = arith.constant 42 : i32
    %scan3A_94 = arith.addi %scan3A_92, %scan3A_93 : i32
    %scan3A_95 = arith.constant 1 : i32
    %scan3A_96:8 = scf.for %scan3A_159 = %scan3A_92 to %scan3A_94 step %scan3A_95 iter_args(%scan3A_160 = %scan3A_80#0, %scan3A_161 = %scan3A_80#1, %scan3A_162 = %scan3A_80#2, %scan3A_163 = %scan3A_80#3, %scan3A_164 = %scan3A_80#4, %scan3A_165 = %scan3A_80#5, %scan3A_166 = %scan3A_80#6, %scan3A_167 = %scan3A_80#7) -> (vector<16xf32>, vector<16xf32>, vector<16xf32>, vector<16xf32>, vector<16xf32>, vector<16xf32>, vector<16xf32>, vector<16xf32>)  : i32 {
      %mul3A_168 = arith.constant 4 : i32
      %mul3A_169 = arith.muli %scan3A_159, %mul3A_168 : i32
      %add3A_170 = arith.constant 0 : i32
      %add3A_171 = arith.addi %mul3A_169, %add3A_170 : i32
      %get3A = arith.index_cast %add3A_171 : i32 to index
      %get3A_172 = arith.constant 0 : index
      %get3A_173 = tpu.vector_load %arg5[%get3A, %get3A_172] {strides = array<i32>} : memref<168x128xf32, #tpu.memory_space<vmem>>, vector<1x16xf32>,
      %get3A_174 = vector.shape_cast %get3A_173 : vector<1x16xf32> to vector<16xf32>
      %add3A_175 = arith.addf %scan3A_160, %get3A_174 : vector<16xf32>
      %mul3A_176 = arith.constant 4 : i32
      %mul3A_177 = arith.muli %scan3A_159, %mul3A_176 : i32
      %add3A_178 = arith.constant 0 : i32
      %add3A_179 = arith.addi %mul3A_177, %add3A_178 : i32
      %get3A_180 = arith.index_cast %add3A_179 : i32 to index
      %get3A_181 = arith.constant 16 : index
      %get3A_182 = tpu.vector_load %arg5[%get3A_180, %get3A_181] {strides = array<i32>} : memref<168x128xf32, #tpu.memory_space<vmem>>, vector<1x16xf32>,
      %get3A_183 = vector.shape_cast %get3A_182 : vector<1x16xf32> to vector<16xf32>
      %add3A_184 = arith.addf %scan3A_161, %get3A_183 : vector<16xf32>
      %mul3A_185 = arith.constant 4 : i32
      %mul3A_186 = arith.muli %scan3A_159, %mul3A_185 : i32
      %add3A_187 = arith.constant 0 : i32
      %add3A_188 = arith.addi %mul3A_186, %add3A_187 : i32
      %get3A_189 = arith.index_cast %add3A_188 : i32 to index
      %get3A_190 = arith.constant 32 : index
      %get3A_191 = tpu.vector_load %arg5[%get3A_189, %get3A_190] {strides = array<i32>} : memref<168x128xf32, #tpu.memory_space<vmem>>, vector<1x16xf32>,
      %get3A_192 = vector.shape_cast %get3A_191 : vector<1x16xf32> to vector<16xf32>
      %add3A_193 = arith.addf %scan3A_162, %get3A_192 : vector<16xf32>
      %mul3A_194 = arith.constant 4 : i32
      %mul3A_195 = arith.muli %scan3A_159, %mul3A_194 : i32
      %add3A_196 = arith.constant 0 : i32
      %add3A_197 = arith.addi %mul3A_195, %add3A_196 : i32
      %get3A_198 = arith.index_cast %add3A_197 : i32 to index
      %get3A_199 = arith.constant 48 : index
      %get3A_200 = tpu.vector_load %arg5[%get3A_198, %get3A_199] {strides = array<i32>} : memref<168x128xf32, #tpu.memory_space<vmem>>, vector<1x16xf32>,
      %get3A_201 = vector.shape_cast %get3A_200 : vector<1x16xf32> to vector<16xf32>
      %add3A_202 = arith.addf %scan3A_163, %get3A_201 : vector<16xf32>
      %mul3A_203 = arith.constant 4 : i32
      %mul3A_204 = arith.muli %scan3A_159, %mul3A_203 : i32
      %add3A_205 = arith.constant 0 : i32
      %add3A_206 = arith.addi %mul3A_204, %add3A_205 : i32
      %get3A_207 = arith.index_cast %add3A_206 : i32 to index
      %get3A_208 = arith.constant 64 : index
      %get3A_209 = tpu.vector_load %arg5[%get3A_207, %get3A_208] {strides = array<i32>} : memref<168x128xf32, #tpu.memory_space<vmem>>, vector<1x16xf32>,
      %get3A_210 = vector.shape_cast %get3A_209 : vector<1x16xf32> to vector<16xf32>
      %add3A_211 = arith.addf %scan3A_164, %get3A_210 : vector<16xf32>
      %mul3A_212 = arith.constant 4 : i32
      %mul3A_213 = arith.muli %scan3A_159, %mul3A_212 : i32
      %add3A_214 = arith.constant 0 : i32
      %add3A_215 = arith.addi %mul3A_213, %add3A_214 : i32
      %get3A_216 = arith.index_cast %add3A_215 : i32 to index
      %get3A_217 = arith.constant 80 : index
      %get3A_218 = tpu.vector_load %arg5[%get3A_216, %get3A_217] {strides = array<i32>} : memref<168x128xf32, #tpu.memory_space<vmem>>, vector<1x16xf32>,
      %get3A_219 = vector.shape_cast %get3A_218 : vector<1x16xf32> to vector<16xf32>
      %add3A_220 = arith.addf %scan3A_165, %get3A_219 : vector<16xf32>
      %mul3A_221 = arith.constant 4 : i32
      %mul3A_222 = arith.muli %scan3A_159, %mul3A_221 : i32
      %add3A_223 = arith.constant 0 : i32
      %add3A_224 = arith.addi %mul3A_222, %add3A_223 : i32
      %get3A_225 = arith.index_cast %add3A_224 : i32 to index
      %get3A_226 = arith.constant 96 : index
      %get3A_227 = tpu.vector_load %arg5[%get3A_225, %get3A_226] {strides = array<i32>} : memref<168x128xf32, #tpu.memory_space<vmem>>, vector<1x16xf32>,
      %get3A_228 = vector.shape_cast %get3A_227 : vector<1x16xf32> to vector<16xf32>
      %add3A_229 = arith.addf %scan3A_166, %get3A_228 : vector<16xf32>
      %mul3A_230 = arith.constant 4 : i32
      %mul3A_231 = arith.muli %scan3A_159, %mul3A_230 : i32
      %add3A_232 = arith.constant 0 : i32
      %add3A_233 = arith.addi %mul3A_231, %add3A_232 : i32
      %get3A_234 = arith.index_cast %add3A_233 : i32 to index
      %get3A_235 = arith.constant 112 : index
      %get3A_236 = tpu.vector_load %arg5[%get3A_234, %get3A_235] {strides = array<i32>} : memref<168x128xf32, #tpu.memory_space<vmem>>, vector<1x16xf32>,
      %get3A_237 = vector.shape_cast %get3A_236 : vector<1x16xf32> to vector<16xf32>
      %add3A_238 = arith.addf %scan3A_167, %get3A_237 : vector<16xf32>
      %mul3A_239 = arith.constant 4 : i32
      %mul3A_240 = arith.muli %scan3A_159, %mul3A_239 : i32
      %add3A_241 = arith.constant 1 : i32
      %add3A_242 = arith.addi %mul3A_240, %add3A_241 : i32
      %get3A_243 = arith.index_cast %add3A_242 : i32 to index
      %get3A_244 = arith.constant 0 : index
      %get3A_245 = tpu.vector_load %arg5[%get3A_243, %get3A_244] {strides = array<i32>} : memref<168x128xf32, #tpu.memory_space<vmem>>, vector<1x16xf32>,
      %get3A_246 = vector.shape_cast %get3A_245 : vector<1x16xf32> to vector<16xf32>
      %add3A_247 = arith.addf %add3A_175, %get3A_246 : vector<16xf32>
      %mul3A_248 = arith.constant 4 : i32
      %mul3A_249 = arith.muli %scan3A_159, %mul3A_248 : i32
      %add3A_250 = arith.constant 1 : i32
      %add3A_251 = arith.addi %mul3A_249, %add3A_250 : i32
      %get3A_252 = arith.index_cast %add3A_251 : i32 to index
      %get3A_253 = arith.constant 16 : index
      %get3A_254 = tpu.vector_load %arg5[%get3A_252, %get3A_253] {strides = array<i32>} : memref<168x128xf32, #tpu.memory_space<vmem>>, vector<1x16xf32>,
      %get3A_255 = vector.shape_cast %get3A_254 : vector<1x16xf32> to vector<16xf32>
      %add3A_256 = arith.addf %add3A_184, %get3A_255 : vector<16xf32>
      %mul3A_257 = arith.constant 4 : i32
      %mul3A_258 = arith.muli %scan3A_159, %mul3A_257 : i32
      %add3A_259 = arith.constant 1 : i32
      %add3A_260 = arith.addi %mul3A_258, %add3A_259 : i32
      %get3A_261 = arith.index_cast %add3A_260 : i32 to index
      %get3A_262 = arith.constant 32 : index
      %get3A_263 = tpu.vector_load %arg5[%get3A_261, %get3A_262] {strides = array<i32>} : memref<168x128xf32, #tpu.memory_space<vmem>>, vector<1x16xf32>,
      %get3A_264 = vector.shape_cast %get3A_263 : vector<1x16xf32> to vector<16xf32>
      %add3A_265 = arith.addf %add3A_193, %get3A_264 : vector<16xf32>
      %mul3A_266 = arith.constant 4 : i32
      %mul3A_267 = arith.muli %scan3A_159, %mul3A_266 : i32
      %add3A_268 = arith.constant 1 : i32
      %add3A_269 = arith.addi %mul3A_267, %add3A_268 : i32
      %get3A_270 = arith.index_cast %add3A_269 : i32 to index
      %get3A_271 = arith.constant 48 : index
      %get3A_272 = tpu.vector_load %arg5[%get3A_270, %get3A_271] {strides = array<i32>} : memref<168x128xf32, #tpu.memory_space<vmem>>, vector<1x16xf32>,
      %get3A_273 = vector.shape_cast %get3A_272 : vector<1x16xf32> to vector<16xf32>
      %add3A_274 = arith.addf %add3A_202, %get3A_273 : vector<16xf32>
      %mul3A_275 = arith.constant 4 : i32
      %mul3A_276 = arith.muli %scan3A_159, %mul3A_275 : i32
      %add3A_277 = arith.constant 1 : i32
      %add3A_278 = arith.addi %mul3A_276, %add3A_277 : i32
      %get3A_279 = arith.index_cast %add3A_278 : i32 to index
      %get3A_280 = arith.constant 64 : index
      %get3A_281 = tpu.vector_load %arg5[%get3A_279, %get3A_280] {strides = array<i32>} : memref<168x128xf32, #tpu.memory_space<vmem>>, vector<1x16xf32>,
      %get3A_282 = vector.shape_cast %get3A_281 : vector<1x16xf32> to vector<16xf32>
      %add3A_283 = arith.addf %add3A_211, %get3A_282 : vector<16xf32>
      %mul3A_284 = arith.constant 4 : i32
      %mul3A_285 = arith.muli %scan3A_159, %mul3A_284 : i32
      %add3A_286 = arith.constant 1 : i32
      %add3A_287 = arith.addi %mul3A_285, %add3A_286 : i32
      %get3A_288 = arith.index_cast %add3A_287 : i32 to index
      %get3A_289 = arith.constant 80 : index
      %get3A_290 = tpu.vector_load %arg5[%get3A_288, %get3A_289] {strides = array<i32>} : memref<168x128xf32, #tpu.memory_space<vmem>>, vector<1x16xf32>,
      %get3A_291 = vector.shape_cast %get3A_290 : vector<1x16xf32> to vector<16xf32>
      %add3A_292 = arith.addf %add3A_220, %get3A_291 : vector<16xf32>
      %mul3A_293 = arith.constant 4 : i32
      %mul3A_294 = arith.muli %scan3A_159, %mul3A_293 : i32
      %add3A_295 = arith.constant 1 : i32
      %add3A_296 = arith.addi %mul3A_294, %add3A_295 : i32
      %get3A_297 = arith.index_cast %add3A_296 : i32 to index
      %get3A_298 = arith.constant 96 : index
      %get3A_299 = tpu.vector_load %arg5[%get3A_297, %get3A_298] {strides = array<i32>} : memref<168x128xf32, #tpu.memory_space<vmem>>, vector<1x16xf32>,
      %get3A_300 = vector.shape_cast %get3A_299 : vector<1x16xf32> to vector<16xf32>
      %add3A_301 = arith.addf %add3A_229, %get3A_300 : vector<16xf32>
      %mul3A_302 = arith.constant 4 : i32
      %mul3A_303 = arith.muli %scan3A_159, %mul3A_302 : i32
      %add3A_304 = arith.constant 1 : i32
      %add3A_305 = arith.addi %mul3A_303, %add3A_304 : i32
      %get3A_306 = arith.index_cast %add3A_305 : i32 to index
      %get3A_307 = arith.constant 112 : index
      %get3A_308 = tpu.vector_load %arg5[%get3A_306, %get3A_307] {strides = array<i32>} : memref<168x128xf32, #tpu.memory_space<vmem>>, vector<1x16xf32>,
      %get3A_309 = vector.shape_cast %get3A_308 : vector<1x16xf32> to vector<16xf32>
      %add3A_310 = arith.addf %add3A_238, %get3A_309 : vector<16xf32>
      %mul3A_311 = arith.constant 4 : i32
      %mul3A_312 = arith.muli %scan3A_159, %mul3A_311 : i32
      %add3A_313 = arith.constant 2 : i32
      %add3A_314 = arith.addi %mul3A_312, %add3A_313 : i32
      %get3A_315 = arith.index_cast %add3A_314 : i32 to index
      %get3A_316 = arith.constant 0 : index
      %get3A_317 = tpu.vector_load %arg5[%get3A_315, %get3A_316] {strides = array<i32>} : memref<168x128xf32, #tpu.memory_space<vmem>>, vector<1x16xf32>,
      %get3A_318 = vector.shape_cast %get3A_317 : vector<1x16xf32> to vector<16xf32>
      %add3A_319 = arith.addf %add3A_247, %get3A_318 : vector<16xf32>
      %mul3A_320 = arith.constant 4 : i32
      %mul3A_321 = arith.muli %scan3A_159, %mul3A_320 : i32
      %add3A_322 = arith.constant 2 : i32
      %add3A_323 = arith.addi %mul3A_321, %add3A_322 : i32
      %get3A_324 = arith.index_cast %add3A_323 : i32 to index
      %get3A_325 = arith.constant 16 : index
      %get3A_326 = tpu.vector_load %arg5[%get3A_324, %get3A_325] {strides = array<i32>} : memref<168x128xf32, #tpu.memory_space<vmem>>, vector<1x16xf32>,
      %get3A_327 = vector.shape_cast %get3A_326 : vector<1x16xf32> to vector<16xf32>
      %add3A_328 = arith.addf %add3A_256, %get3A_327 : vector<16xf32>
      %mul3A_329 = arith.constant 4 : i32
      %mul3A_330 = arith.muli %scan3A_159, %mul3A_329 : i32
      %add3A_331 = arith.constant 2 : i32
      %add3A_332 = arith.addi %mul3A_330, %add3A_331 : i32
      %get3A_333 = arith.index_cast %add3A_332 : i32 to index
      %get3A_334 = arith.constant 32 : index
      %get3A_335 = tpu.vector_load %arg5[%get3A_333, %get3A_334] {strides = array<i32>} : memref<168x128xf32, #tpu.memory_space<vmem>>, vector<1x16xf32>,
      %get3A_336 = vector.shape_cast %get3A_335 : vector<1x16xf32> to vector<16xf32>
      %add3A_337 = arith.addf %add3A_265, %get3A_336 : vector<16xf32>
      %mul3A_338 = arith.constant 4 : i32
      %mul3A_339 = arith.muli %scan3A_159, %mul3A_338 : i32
      %add3A_340 = arith.constant 2 : i32
      %add3A_341 = arith.addi %mul3A_339, %add3A_340 : i32
      %get3A_342 = arith.index_cast %add3A_341 : i32 to index
      %get3A_343 = arith.constant 48 : index
      %get3A_344 = tpu.vector_load %arg5[%get3A_342, %get3A_343] {strides = array<i32>} : memref<168x128xf32, #tpu.memory_space<vmem>>, vector<1x16xf32>,
      %get3A_345 = vector.shape_cast %get3A_344 : vector<1x16xf32> to vector<16xf32>
      %add3A_346 = arith.addf %add3A_274, %get3A_345 : vector<16xf32>
      %mul3A_347 = arith.constant 4 : i32
      %mul3A_348 = arith.muli %scan3A_159, %mul3A_347 : i32
      %add3A_349 = arith.constant 2 : i32
      %add3A_350 = arith.addi %mul3A_348, %add3A_349 : i32
      %get3A_351 = arith.index_cast %add3A_350 : i32 to index
      %get3A_352 = arith.constant 64 : index
      %get3A_353 = tpu.vector_load %arg5[%get3A_351, %get3A_352] {strides = array<i32>} : memref<168x128xf32, #tpu.memory_space<vmem>>, vector<1x16xf32>,
      %get3A_354 = vector.shape_cast %get3A_353 : vector<1x16xf32> to vector<16xf32>
      %add3A_355 = arith.addf %add3A_283, %get3A_354 : vector<16xf32>
      %mul3A_356 = arith.constant 4 : i32
      %mul3A_357 = arith.muli %scan3A_159, %mul3A_356 : i32
      %add3A_358 = arith.constant 2 : i32
      %add3A_359 = arith.addi %mul3A_357, %add3A_358 : i32
      %get3A_360 = arith.index_cast %add3A_359 : i32 to index
      %get3A_361 = arith.constant 80 : index
      %get3A_362 = tpu.vector_load %arg5[%get3A_360, %get3A_361] {strides = array<i32>} : memref<168x128xf32, #tpu.memory_space<vmem>>, vector<1x16xf32>,
      %get3A_363 = vector.shape_cast %get3A_362 : vector<1x16xf32> to vector<16xf32>
      %add3A_364 = arith.addf %add3A_292, %get3A_363 : vector<16xf32>
      %mul3A_365 = arith.constant 4 : i32
      %mul3A_366 = arith.muli %scan3A_159, %mul3A_365 : i32
      %add3A_367 = arith.constant 2 : i32
      %add3A_368 = arith.addi %mul3A_366, %add3A_367 : i32
      %get3A_369 = arith.index_cast %add3A_368 : i32 to index
      %get3A_370 = arith.constant 96 : index
      %get3A_371 = tpu.vector_load %arg5[%get3A_369, %get3A_370] {strides = array<i32>} : memref<168x128xf32, #tpu.memory_space<vmem>>, vector<1x16xf32>,
      %get3A_372 = vector.shape_cast %get3A_371 : vector<1x16xf32> to vector<16xf32>
      %add3A_373 = arith.addf %add3A_301, %get3A_372 : vector<16xf32>
      %mul3A_374 = arith.constant 4 : i32
      %mul3A_375 = arith.muli %scan3A_159, %mul3A_374 : i32
      %add3A_376 = arith.constant 2 : i32
      %add3A_377 = arith.addi %mul3A_375, %add3A_376 : i32
      %get3A_378 = arith.index_cast %add3A_377 : i32 to index
      %get3A_379 = arith.constant 112 : index
      %get3A_380 = tpu.vector_load %arg5[%get3A_378, %get3A_379] {strides = array<i32>} : memref<168x128xf32, #tpu.memory_space<vmem>>, vector<1x16xf32>,
      %get3A_381 = vector.shape_cast %get3A_380 : vector<1x16xf32> to vector<16xf32>
      %add3A_382 = arith.addf %add3A_310, %get3A_381 : vector<16xf32>
      %mul3A_383 = arith.constant 4 : i32
      %mul3A_384 = arith.muli %scan3A_159, %mul3A_383 : i32
      %add3A_385 = arith.constant 3 : i32
      %add3A_386 = arith.addi %mul3A_384, %add3A_385 : i32
      %get3A_387 = arith.index_cast %add3A_386 : i32 to index
      %get3A_388 = arith.constant 0 : index
      %get3A_389 = tpu.vector_load %arg5[%get3A_387, %get3A_388] {strides = array<i32>} : memref<168x128xf32, #tpu.memory_space<vmem>>, vector<1x16xf32>,
      %get3A_390 = vector.shape_cast %get3A_389 : vector<1x16xf32> to vector<16xf32>
      %add3A_391 = arith.addf %add3A_319, %get3A_390 : vector<16xf32>
      %mul3A_392 = arith.constant 4 : i32
      %mul3A_393 = arith.muli %scan3A_159, %mul3A_392 : i32
      %add3A_394 = arith.constant 3 : i32
      %add3A_395 = arith.addi %mul3A_393, %add3A_394 : i32
      %get3A_396 = arith.index_cast %add3A_395 : i32 to index
      %get3A_397 = arith.constant 16 : index
      %get3A_398 = tpu.vector_load %arg5[%get3A_396, %get3A_397] {strides = array<i32>} : memref<168x128xf32, #tpu.memory_space<vmem>>, vector<1x16xf32>,
      %get3A_399 = vector.shape_cast %get3A_398 : vector<1x16xf32> to vector<16xf32>
      %add3A_400 = arith.addf %add3A_328, %get3A_399 : vector<16xf32>
      %mul3A_401 = arith.constant 4 : i32
      %mul3A_402 = arith.muli %scan3A_159, %mul3A_401 : i32
      %add3A_403 = arith.constant 3 : i32
      %add3A_404 = arith.addi %mul3A_402, %add3A_403 : i32
      %get3A_405 = arith.index_cast %add3A_404 : i32 to index
      %get3A_406 = arith.constant 32 : index
      %get3A_407 = tpu.vector_load %arg5[%get3A_405, %get3A_406] {strides = array<i32>} : memref<168x128xf32, #tpu.memory_space<vmem>>, vector<1x16xf32>,
      %get3A_408 = vector.shape_cast %get3A_407 : vector<1x16xf32> to vector<16xf32>
      %add3A_409 = arith.addf %add3A_337, %get3A_408 : vector<16xf32>
      %mul3A_410 = arith.constant 4 : i32
      %mul3A_411 = arith.muli %scan3A_159, %mul3A_410 : i32
      %add3A_412 = arith.constant 3 : i32
      %add3A_413 = arith.addi %mul3A_411, %add3A_412 : i32
      %get3A_414 = arith.index_cast %add3A_413 : i32 to index
      %get3A_415 = arith.constant 48 : index
      %get3A_416 = tpu.vector_load %arg5[%get3A_414, %get3A_415] {strides = array<i32>} : memref<168x128xf32, #tpu.memory_space<vmem>>, vector<1x16xf32>,
      %get3A_417 = vector.shape_cast %get3A_416 : vector<1x16xf32> to vector<16xf32>
      %add3A_418 = arith.addf %add3A_346, %get3A_417 : vector<16xf32>
      %mul3A_419 = arith.constant 4 : i32
      %mul3A_420 = arith.muli %scan3A_159, %mul3A_419 : i32
      %add3A_421 = arith.constant 3 : i32
      %add3A_422 = arith.addi %mul3A_420, %add3A_421 : i32
      %get3A_423 = arith.index_cast %add3A_422 : i32 to index
      %get3A_424 = arith.constant 64 : index
      %get3A_425 = tpu.vector_load %arg5[%get3A_423, %get3A_424] {strides = array<i32>} : memref<168x128xf32, #tpu.memory_space<vmem>>, vector<1x16xf32>,
      %get3A_426 = vector.shape_cast %get3A_425 : vector<1x16xf32> to vector<16xf32>
      %add3A_427 = arith.addf %add3A_355, %get3A_426 : vector<16xf32>
      %mul3A_428 = arith.constant 4 : i32
      %mul3A_429 = arith.muli %scan3A_159, %mul3A_428 : i32
      %add3A_430 = arith.constant 3 : i32
      %add3A_431 = arith.addi %mul3A_429, %add3A_430 : i32
      %get3A_432 = arith.index_cast %add3A_431 : i32 to index
      %get3A_433 = arith.constant 80 : index
      %get3A_434 = tpu.vector_load %arg5[%get3A_432, %get3A_433] {strides = array<i32>} : memref<168x128xf32, #tpu.memory_space<vmem>>, vector<1x16xf32>,
      %get3A_435 = vector.shape_cast %get3A_434 : vector<1x16xf32> to vector<16xf32>
      %add3A_436 = arith.addf %add3A_364, %get3A_435 : vector<16xf32>
      %mul3A_437 = arith.constant 4 : i32
      %mul3A_438 = arith.muli %scan3A_159, %mul3A_437 : i32
      %add3A_439 = arith.constant 3 : i32
      %add3A_440 = arith.addi %mul3A_438, %add3A_439 : i32
      %get3A_441 = arith.index_cast %add3A_440 : i32 to index
      %get3A_442 = arith.constant 96 : index
      %get3A_443 = tpu.vector_load %arg5[%get3A_441, %get3A_442] {strides = array<i32>} : memref<168x128xf32, #tpu.memory_space<vmem>>, vector<1x16xf32>,
      %get3A_444 = vector.shape_cast %get3A_443 : vector<1x16xf32> to vector<16xf32>
      %add3A_445 = arith.addf %add3A_373, %get3A_444 : vector<16xf32>
      %mul3A_446 = arith.constant 4 : i32
      %mul3A_447 = arith.muli %scan3A_159, %mul3A_446 : i32
      %add3A_448 = arith.constant 3 : i32
      %add3A_449 = arith.addi %mul3A_447, %add3A_448 : i32
      %get3A_450 = arith.index_cast %add3A_449 : i32 to index
      %get3A_451 = arith.constant 112 : index
      %get3A_452 = tpu.vector_load %arg5[%get3A_450, %get3A_451] {strides = array<i32>} : memref<168x128xf32, #tpu.memory_space<vmem>>, vector<1x16xf32>,
      %get3A_453 = vector.shape_cast %get3A_452 : vector<1x16xf32> to vector<16xf32>
      %add3A_454 = arith.addf %add3A_382, %get3A_453 : vector<16xf32>
      scf.yield %add3A_391, %add3A_400, %add3A_409, %add3A_418, %add3A_427, %add3A_436, %add3A_445, %add3A_454 : vector<16xf32>, vector<16xf32>, vector<16xf32>, vector<16xf32>, vector<16xf32>, vector<16xf32>, vector<16xf32>, vector<16xf32>
    }
    %scan3A_97 = arith.constant 42 : i32
    %scan3A_98 = arith.constant 0 : i32
    %scan3A_99 = arith.constant 40 : i32
    %scan3A_100 = arith.addi %scan3A_98, %scan3A_99 : i32
    %scan3A_101 = arith.constant 1 : i32
    %scan3A_102:8 = scf.for %scan3A_159 = %scan3A_98 to %scan3A_100 step %scan3A_101 iter_args(%scan3A_160 = %scan3A_80#0, %scan3A_161 = %scan3A_80#1, %scan3A_162 = %scan3A_80#2, %scan3A_163 = %scan3A_80#3, %scan3A_164 = %scan3A_80#4, %scan3A_165 = %scan3A_80#5, %scan3A_166 = %scan3A_80#6, %scan3A_167 = %scan3A_80#7) -> (vector<16xf32>, vector<16xf32>, vector<16xf32>, vector<16xf32>, vector<16xf32>, vector<16xf32>, vector<16xf32>, vector<16xf32>)  : i32 {
      %mul3A_168 = arith.constant 4 : i32
      %mul3A_169 = arith.muli %scan3A_159, %mul3A_168 : i32
      %add3A_170 = arith.constant 0 : i32
      %add3A_171 = arith.addi %mul3A_169, %add3A_170 : i32
      %get3A = arith.index_cast %add3A_171 : i32 to index
      %get3A_172 = arith.constant 0 : index
      %get3A_173 = tpu.vector_load %arg6[%get3A, %get3A_172] {strides = array<i32>} : memref<160x128xf32, #tpu.memory_space<vmem>>, vector<1x16xf32>,
      %get3A_174 = vector.shape_cast %get3A_173 : vector<1x16xf32> to vector<16xf32>
      %add3A_175 = arith.addf %scan3A_160, %get3A_174 : vector<16xf32>
      %mul3A_176 = arith.constant 4 : i32
      %mul3A_177 = arith.muli %scan3A_159, %mul3A_176 : i32
      %add3A_178 = arith.constant 0 : i32
      %add3A_179 = arith.addi %mul3A_177, %add3A_178 : i32
      %get3A_180 = arith.index_cast %add3A_179 : i32 to index
      %get3A_181 = arith.constant 16 : index
      %get3A_182 = tpu.vector_load %arg6[%get3A_180, %get3A_181] {strides = array<i32>} : memref<160x128xf32, #tpu.memory_space<vmem>>, vector<1x16xf32>,
      %get3A_183 = vector.shape_cast %get3A_182 : vector<1x16xf32> to vector<16xf32>
      %add3A_184 = arith.addf %scan3A_161, %get3A_183 : vector<16xf32>
      %mul3A_185 = arith.constant 4 : i32
      %mul3A_186 = arith.muli %scan3A_159, %mul3A_185 : i32
      %add3A_187 = arith.constant 0 : i32
      %add3A_188 = arith.addi %mul3A_186, %add3A_187 : i32
      %get3A_189 = arith.index_cast %add3A_188 : i32 to index
      %get3A_190 = arith.constant 32 : index
      %get3A_191 = tpu.vector_load %arg6[%get3A_189, %get3A_190] {strides = array<i32>} : memref<160x128xf32, #tpu.memory_space<vmem>>, vector<1x16xf32>,
      %get3A_192 = vector.shape_cast %get3A_191 : vector<1x16xf32> to vector<16xf32>
      %add3A_193 = arith.addf %scan3A_162, %get3A_192 : vector<16xf32>
      %mul3A_194 = arith.constant 4 : i32
      %mul3A_195 = arith.muli %scan3A_159, %mul3A_194 : i32
      %add3A_196 = arith.constant 0 : i32
      %add3A_197 = arith.addi %mul3A_195, %add3A_196 : i32
      %get3A_198 = arith.index_cast %add3A_197 : i32 to index
      %get3A_199 = arith.constant 48 : index
      %get3A_200 = tpu.vector_load %arg6[%get3A_198, %get3A_199] {strides = array<i32>} : memref<160x128xf32, #tpu.memory_space<vmem>>, vector<1x16xf32>,
      %get3A_201 = vector.shape_cast %get3A_200 : vector<1x16xf32> to vector<16xf32>
      %add3A_202 = arith.addf %scan3A_163, %get3A_201 : vector<16xf32>
      %mul3A_203 = arith.constant 4 : i32
      %mul3A_204 = arith.muli %scan3A_159, %mul3A_203 : i32
      %add3A_205 = arith.constant 0 : i32
      %add3A_206 = arith.addi %mul3A_204, %add3A_205 : i32
      %get3A_207 = arith.index_cast %add3A_206 : i32 to index
      %get3A_208 = arith.constant 64 : index
      %get3A_209 = tpu.vector_load %arg6[%get3A_207, %get3A_208] {strides = array<i32>} : memref<160x128xf32, #tpu.memory_space<vmem>>, vector<1x16xf32>,
      %get3A_210 = vector.shape_cast %get3A_209 : vector<1x16xf32> to vector<16xf32>
      %add3A_211 = arith.addf %scan3A_164, %get3A_210 : vector<16xf32>
      %mul3A_212 = arith.constant 4 : i32
      %mul3A_213 = arith.muli %scan3A_159, %mul3A_212 : i32
      %add3A_214 = arith.constant 0 : i32
      %add3A_215 = arith.addi %mul3A_213, %add3A_214 : i32
      %get3A_216 = arith.index_cast %add3A_215 : i32 to index
      %get3A_217 = arith.constant 80 : index
      %get3A_218 = tpu.vector_load %arg6[%get3A_216, %get3A_217] {strides = array<i32>} : memref<160x128xf32, #tpu.memory_space<vmem>>, vector<1x16xf32>,
      %get3A_219 = vector.shape_cast %get3A_218 : vector<1x16xf32> to vector<16xf32>
      %add3A_220 = arith.addf %scan3A_165, %get3A_219 : vector<16xf32>
      %mul3A_221 = arith.constant 4 : i32
      %mul3A_222 = arith.muli %scan3A_159, %mul3A_221 : i32
      %add3A_223 = arith.constant 0 : i32
      %add3A_224 = arith.addi %mul3A_222, %add3A_223 : i32
      %get3A_225 = arith.index_cast %add3A_224 : i32 to index
      %get3A_226 = arith.constant 96 : index
      %get3A_227 = tpu.vector_load %arg6[%get3A_225, %get3A_226] {strides = array<i32>} : memref<160x128xf32, #tpu.memory_space<vmem>>, vector<1x16xf32>,
      %get3A_228 = vector.shape_cast %get3A_227 : vector<1x16xf32> to vector<16xf32>
      %add3A_229 = arith.addf %scan3A_166, %get3A_228 : vector<16xf32>
      %mul3A_230 = arith.constant 4 : i32
      %mul3A_231 = arith.muli %scan3A_159, %mul3A_230 : i32
      %add3A_232 = arith.constant 0 : i32
      %add3A_233 = arith.addi %mul3A_231, %add3A_232 : i32
      %get3A_234 = arith.index_cast %add3A_233 : i32 to index
      %get3A_235 = arith.constant 112 : index
      %get3A_236 = tpu.vector_load %arg6[%get3A_234, %get3A_235] {strides = array<i32>} : memref<160x128xf32, #tpu.memory_space<vmem>>, vector<1x16xf32>,
      %get3A_237 = vector.shape_cast %get3A_236 : vector<1x16xf32> to vector<16xf32>
      %add3A_238 = arith.addf %scan3A_167, %get3A_237 : vector<16xf32>
      %mul3A_239 = arith.constant 4 : i32
      %mul3A_240 = arith.muli %scan3A_159, %mul3A_239 : i32
      %add3A_241 = arith.constant 1 : i32
      %add3A_242 = arith.addi %mul3A_240, %add3A_241 : i32
      %get3A_243 = arith.index_cast %add3A_242 : i32 to index
      %get3A_244 = arith.constant 0 : index
      %get3A_245 = tpu.vector_load %arg6[%get3A_243, %get3A_244] {strides = array<i32>} : memref<160x128xf32, #tpu.memory_space<vmem>>, vector<1x16xf32>,
      %get3A_246 = vector.shape_cast %get3A_245 : vector<1x16xf32> to vector<16xf32>
      %add3A_247 = arith.addf %add3A_175, %get3A_246 : vector<16xf32>
      %mul3A_248 = arith.constant 4 : i32
      %mul3A_249 = arith.muli %scan3A_159, %mul3A_248 : i32
      %add3A_250 = arith.constant 1 : i32
      %add3A_251 = arith.addi %mul3A_249, %add3A_250 : i32
      %get3A_252 = arith.index_cast %add3A_251 : i32 to index
      %get3A_253 = arith.constant 16 : index
      %get3A_254 = tpu.vector_load %arg6[%get3A_252, %get3A_253] {strides = array<i32>} : memref<160x128xf32, #tpu.memory_space<vmem>>, vector<1x16xf32>,
      %get3A_255 = vector.shape_cast %get3A_254 : vector<1x16xf32> to vector<16xf32>
      %add3A_256 = arith.addf %add3A_184, %get3A_255 : vector<16xf32>
      %mul3A_257 = arith.constant 4 : i32
      %mul3A_258 = arith.muli %scan3A_159, %mul3A_257 : i32
      %add3A_259 = arith.constant 1 : i32
      %add3A_260 = arith.addi %mul3A_258, %add3A_259 : i32
      %get3A_261 = arith.index_cast %add3A_260 : i32 to index
      %get3A_262 = arith.constant 32 : index
      %get3A_263 = tpu.vector_load %arg6[%get3A_261, %get3A_262] {strides = array<i32>} : memref<160x128xf32, #tpu.memory_space<vmem>>, vector<1x16xf32>,
      %get3A_264 = vector.shape_cast %get3A_263 : vector<1x16xf32> to vector<16xf32>
      %add3A_265 = arith.addf %add3A_193, %get3A_264 : vector<16xf32>
      %mul3A_266 = arith.constant 4 : i32
      %mul3A_267 = arith.muli %scan3A_159, %mul3A_266 : i32
      %add3A_268 = arith.constant 1 : i32
      %add3A_269 = arith.addi %mul3A_267, %add3A_268 : i32
      %get3A_270 = arith.index_cast %add3A_269 : i32 to index
      %get3A_271 = arith.constant 48 : index
      %get3A_272 = tpu.vector_load %arg6[%get3A_270, %get3A_271] {strides = array<i32>} : memref<160x128xf32, #tpu.memory_space<vmem>>, vector<1x16xf32>,
      %get3A_273 = vector.shape_cast %get3A_272 : vector<1x16xf32> to vector<16xf32>
      %add3A_274 = arith.addf %add3A_202, %get3A_273 : vector<16xf32>
      %mul3A_275 = arith.constant 4 : i32
      %mul3A_276 = arith.muli %scan3A_159, %mul3A_275 : i32
      %add3A_277 = arith.constant 1 : i32
      %add3A_278 = arith.addi %mul3A_276, %add3A_277 : i32
      %get3A_279 = arith.index_cast %add3A_278 : i32 to index
      %get3A_280 = arith.constant 64 : index
      %get3A_281 = tpu.vector_load %arg6[%get3A_279, %get3A_280] {strides = array<i32>} : memref<160x128xf32, #tpu.memory_space<vmem>>, vector<1x16xf32>,
      %get3A_282 = vector.shape_cast %get3A_281 : vector<1x16xf32> to vector<16xf32>
      %add3A_283 = arith.addf %add3A_211, %get3A_282 : vector<16xf32>
      %mul3A_284 = arith.constant 4 : i32
      %mul3A_285 = arith.muli %scan3A_159, %mul3A_284 : i32
      %add3A_286 = arith.constant 1 : i32
      %add3A_287 = arith.addi %mul3A_285, %add3A_286 : i32
      %get3A_288 = arith.index_cast %add3A_287 : i32 to index
      %get3A_289 = arith.constant 80 : index
      %get3A_290 = tpu.vector_load %arg6[%get3A_288, %get3A_289] {strides = array<i32>} : memref<160x128xf32, #tpu.memory_space<vmem>>, vector<1x16xf32>,
      %get3A_291 = vector.shape_cast %get3A_290 : vector<1x16xf32> to vector<16xf32>
      %add3A_292 = arith.addf %add3A_220, %get3A_291 : vector<16xf32>
      %mul3A_293 = arith.constant 4 : i32
      %mul3A_294 = arith.muli %scan3A_159, %mul3A_293 : i32
      %add3A_295 = arith.constant 1 : i32
      %add3A_296 = arith.addi %mul3A_294, %add3A_295 : i32
      %get3A_297 = arith.index_cast %add3A_296 : i32 to index
      %get3A_298 = arith.constant 96 : index
      %get3A_299 = tpu.vector_load %arg6[%get3A_297, %get3A_298] {strides = array<i32>} : memref<160x128xf32, #tpu.memory_space<vmem>>, vector<1x16xf32>,
      %get3A_300 = vector.shape_cast %get3A_299 : vector<1x16xf32> to vector<16xf32>
      %add3A_301 = arith.addf %add3A_229, %get3A_300 : vector<16xf32>
      %mul3A_302 = arith.constant 4 : i32
      %mul3A_303 = arith.muli %scan3A_159, %mul3A_302 : i32
      %add3A_304 = arith.constant 1 : i32
      %add3A_305 = arith.addi %mul3A_303, %add3A_304 : i32
      %get3A_306 = arith.index_cast %add3A_305 : i32 to index
      %get3A_307 = arith.constant 112 : index
      %get3A_308 = tpu.vector_load %arg6[%get3A_306, %get3A_307] {strides = array<i32>} : memref<160x128xf32, #tpu.memory_space<vmem>>, vector<1x16xf32>,
      %get3A_309 = vector.shape_cast %get3A_308 : vector<1x16xf32> to vector<16xf32>
      %add3A_310 = arith.addf %add3A_238, %get3A_309 : vector<16xf32>
      %mul3A_311 = arith.constant 4 : i32
      %mul3A_312 = arith.muli %scan3A_159, %mul3A_311 : i32
      %add3A_313 = arith.constant 2 : i32
      %add3A_314 = arith.addi %mul3A_312, %add3A_313 : i32
      %get3A_315 = arith.index_cast %add3A_314 : i32 to index
      %get3A_316 = arith.constant 0 : index
      %get3A_317 = tpu.vector_load %arg6[%get3A_315, %get3A_316] {strides = array<i32>} : memref<160x128xf32, #tpu.memory_space<vmem>>, vector<1x16xf32>,
      %get3A_318 = vector.shape_cast %get3A_317 : vector<1x16xf32> to vector<16xf32>
      %add3A_319 = arith.addf %add3A_247, %get3A_318 : vector<16xf32>
      %mul3A_320 = arith.constant 4 : i32
      %mul3A_321 = arith.muli %scan3A_159, %mul3A_320 : i32
      %add3A_322 = arith.constant 2 : i32
      %add3A_323 = arith.addi %mul3A_321, %add3A_322 : i32
      %get3A_324 = arith.index_cast %add3A_323 : i32 to index
      %get3A_325 = arith.constant 16 : index
      %get3A_326 = tpu.vector_load %arg6[%get3A_324, %get3A_325] {strides = array<i32>} : memref<160x128xf32, #tpu.memory_space<vmem>>, vector<1x16xf32>,
      %get3A_327 = vector.shape_cast %get3A_326 : vector<1x16xf32> to vector<16xf32>
      %add3A_328 = arith.addf %add3A_256, %get3A_327 : vector<16xf32>
      %mul3A_329 = arith.constant 4 : i32
      %mul3A_330 = arith.muli %scan3A_159, %mul3A_329 : i32
      %add3A_331 = arith.constant 2 : i32
      %add3A_332 = arith.addi %mul3A_330, %add3A_331 : i32
      %get3A_333 = arith.index_cast %add3A_332 : i32 to index
      %get3A_334 = arith.constant 32 : index
      %get3A_335 = tpu.vector_load %arg6[%get3A_333, %get3A_334] {strides = array<i32>} : memref<160x128xf32, #tpu.memory_space<vmem>>, vector<1x16xf32>,
      %get3A_336 = vector.shape_cast %get3A_335 : vector<1x16xf32> to vector<16xf32>
      %add3A_337 = arith.addf %add3A_265, %get3A_336 : vector<16xf32>
      %mul3A_338 = arith.constant 4 : i32
      %mul3A_339 = arith.muli %scan3A_159, %mul3A_338 : i32
      %add3A_340 = arith.constant 2 : i32
      %add3A_341 = arith.addi %mul3A_339, %add3A_340 : i32
      %get3A_342 = arith.index_cast %add3A_341 : i32 to index
      %get3A_343 = arith.constant 48 : index
      %get3A_344 = tpu.vector_load %arg6[%get3A_342, %get3A_343] {strides = array<i32>} : memref<160x128xf32, #tpu.memory_space<vmem>>, vector<1x16xf32>,
      %get3A_345 = vector.shape_cast %get3A_344 : vector<1x16xf32> to vector<16xf32>
      %add3A_346 = arith.addf %add3A_274, %get3A_345 : vector<16xf32>
      %mul3A_347 = arith.constant 4 : i32
      %mul3A_348 = arith.muli %scan3A_159, %mul3A_347 : i32
      %add3A_349 = arith.constant 2 : i32
      %add3A_350 = arith.addi %mul3A_348, %add3A_349 : i32
      %get3A_351 = arith.index_cast %add3A_350 : i32 to index
      %get3A_352 = arith.constant 64 : index
      %get3A_353 = tpu.vector_load %arg6[%get3A_351, %get3A_352] {strides = array<i32>} : memref<160x128xf32, #tpu.memory_space<vmem>>, vector<1x16xf32>,
      %get3A_354 = vector.shape_cast %get3A_353 : vector<1x16xf32> to vector<16xf32>
      %add3A_355 = arith.addf %add3A_283, %get3A_354 : vector<16xf32>
      %mul3A_356 = arith.constant 4 : i32
      %mul3A_357 = arith.muli %scan3A_159, %mul3A_356 : i32
      %add3A_358 = arith.constant 2 : i32
      %add3A_359 = arith.addi %mul3A_357, %add3A_358 : i32
      %get3A_360 = arith.index_cast %add3A_359 : i32 to index
      %get3A_361 = arith.constant 80 : index
      %get3A_362 = tpu.vector_load %arg6[%get3A_360, %get3A_361] {strides = array<i32>} : memref<160x128xf32, #tpu.memory_space<vmem>>, vector<1x16xf32>,
      %get3A_363 = vector.shape_cast %get3A_362 : vector<1x16xf32> to vector<16xf32>
      %add3A_364 = arith.addf %add3A_292, %get3A_363 : vector<16xf32>
      %mul3A_365 = arith.constant 4 : i32
      %mul3A_366 = arith.muli %scan3A_159, %mul3A_365 : i32
      %add3A_367 = arith.constant 2 : i32
      %add3A_368 = arith.addi %mul3A_366, %add3A_367 : i32
      %get3A_369 = arith.index_cast %add3A_368 : i32 to index
      %get3A_370 = arith.constant 96 : index
      %get3A_371 = tpu.vector_load %arg6[%get3A_369, %get3A_370] {strides = array<i32>} : memref<160x128xf32, #tpu.memory_space<vmem>>, vector<1x16xf32>,
      %get3A_372 = vector.shape_cast %get3A_371 : vector<1x16xf32> to vector<16xf32>
      %add3A_373 = arith.addf %add3A_301, %get3A_372 : vector<16xf32>
      %mul3A_374 = arith.constant 4 : i32
      %mul3A_375 = arith.muli %scan3A_159, %mul3A_374 : i32
      %add3A_376 = arith.constant 2 : i32
      %add3A_377 = arith.addi %mul3A_375, %add3A_376 : i32
      %get3A_378 = arith.index_cast %add3A_377 : i32 to index
      %get3A_379 = arith.constant 112 : index
      %get3A_380 = tpu.vector_load %arg6[%get3A_378, %get3A_379] {strides = array<i32>} : memref<160x128xf32, #tpu.memory_space<vmem>>, vector<1x16xf32>,
      %get3A_381 = vector.shape_cast %get3A_380 : vector<1x16xf32> to vector<16xf32>
      %add3A_382 = arith.addf %add3A_310, %get3A_381 : vector<16xf32>
      %mul3A_383 = arith.constant 4 : i32
      %mul3A_384 = arith.muli %scan3A_159, %mul3A_383 : i32
      %add3A_385 = arith.constant 3 : i32
      %add3A_386 = arith.addi %mul3A_384, %add3A_385 : i32
      %get3A_387 = arith.index_cast %add3A_386 : i32 to index
      %get3A_388 = arith.constant 0 : index
      %get3A_389 = tpu.vector_load %arg6[%get3A_387, %get3A_388] {strides = array<i32>} : memref<160x128xf32, #tpu.memory_space<vmem>>, vector<1x16xf32>,
      %get3A_390 = vector.shape_cast %get3A_389 : vector<1x16xf32> to vector<16xf32>
      %add3A_391 = arith.addf %add3A_319, %get3A_390 : vector<16xf32>
      %mul3A_392 = arith.constant 4 : i32
      %mul3A_393 = arith.muli %scan3A_159, %mul3A_392 : i32
      %add3A_394 = arith.constant 3 : i32
      %add3A_395 = arith.addi %mul3A_393, %add3A_394 : i32
      %get3A_396 = arith.index_cast %add3A_395 : i32 to index
      %get3A_397 = arith.constant 16 : index
      %get3A_398 = tpu.vector_load %arg6[%get3A_396, %get3A_397] {strides = array<i32>} : memref<160x128xf32, #tpu.memory_space<vmem>>, vector<1x16xf32>,
      %get3A_399 = vector.shape_cast %get3A_398 : vector<1x16xf32> to vector<16xf32>
      %add3A_400 = arith.addf %add3A_328, %get3A_399 : vector<16xf32>
      %mul3A_401 = arith.constant 4 : i32
      %mul3A_402 = arith.muli %scan3A_159, %mul3A_401 : i32
      %add3A_403 = arith.constant 3 : i32
      %add3A_404 = arith.addi %mul3A_402, %add3A_403 : i32
      %get3A_405 = arith.index_cast %add3A_404 : i32 to index
      %get3A_406 = arith.constant 32 : index
      %get3A_407 = tpu.vector_load %arg6[%get3A_405, %get3A_406] {strides = array<i32>} : memref<160x128xf32, #tpu.memory_space<vmem>>, vector<1x16xf32>,
      %get3A_408 = vector.shape_cast %get3A_407 : vector<1x16xf32> to vector<16xf32>
      %add3A_409 = arith.addf %add3A_337, %get3A_408 : vector<16xf32>
      %mul3A_410 = arith.constant 4 : i32
      %mul3A_411 = arith.muli %scan3A_159, %mul3A_410 : i32
      %add3A_412 = arith.constant 3 : i32
      %add3A_413 = arith.addi %mul3A_411, %add3A_412 : i32
      %get3A_414 = arith.index_cast %add3A_413 : i32 to index
      %get3A_415 = arith.constant 48 : index
      %get3A_416 = tpu.vector_load %arg6[%get3A_414, %get3A_415] {strides = array<i32>} : memref<160x128xf32, #tpu.memory_space<vmem>>, vector<1x16xf32>,
      %get3A_417 = vector.shape_cast %get3A_416 : vector<1x16xf32> to vector<16xf32>
      %add3A_418 = arith.addf %add3A_346, %get3A_417 : vector<16xf32>
      %mul3A_419 = arith.constant 4 : i32
      %mul3A_420 = arith.muli %scan3A_159, %mul3A_419 : i32
      %add3A_421 = arith.constant 3 : i32
      %add3A_422 = arith.addi %mul3A_420, %add3A_421 : i32
      %get3A_423 = arith.index_cast %add3A_422 : i32 to index
      %get3A_424 = arith.constant 64 : index
      %get3A_425 = tpu.vector_load %arg6[%get3A_423, %get3A_424] {strides = array<i32>} : memref<160x128xf32, #tpu.memory_space<vmem>>, vector<1x16xf32>,
      %get3A_426 = vector.shape_cast %get3A_425 : vector<1x16xf32> to vector<16xf32>
      %add3A_427 = arith.addf %add3A_355, %get3A_426 : vector<16xf32>
      %mul3A_428 = arith.constant 4 : i32
      %mul3A_429 = arith.muli %scan3A_159, %mul3A_428 : i32
      %add3A_430 = arith.constant 3 : i32
      %add3A_431 = arith.addi %mul3A_429, %add3A_430 : i32
      %get3A_432 = arith.index_cast %add3A_431 : i32 to index
      %get3A_433 = arith.constant 80 : index
      %get3A_434 = tpu.vector_load %arg6[%get3A_432, %get3A_433] {strides = array<i32>} : memref<160x128xf32, #tpu.memory_space<vmem>>, vector<1x16xf32>,
      %get3A_435 = vector.shape_cast %get3A_434 : vector<1x16xf32> to vector<16xf32>
      %add3A_436 = arith.addf %add3A_364, %get3A_435 : vector<16xf32>
      %mul3A_437 = arith.constant 4 : i32
      %mul3A_438 = arith.muli %scan3A_159, %mul3A_437 : i32
      %add3A_439 = arith.constant 3 : i32
      %add3A_440 = arith.addi %mul3A_438, %add3A_439 : i32
      %get3A_441 = arith.index_cast %add3A_440 : i32 to index
      %get3A_442 = arith.constant 96 : index
      %get3A_443 = tpu.vector_load %arg6[%get3A_441, %get3A_442] {strides = array<i32>} : memref<160x128xf32, #tpu.memory_space<vmem>>, vector<1x16xf32>,
      %get3A_444 = vector.shape_cast %get3A_443 : vector<1x16xf32> to vector<16xf32>
      %add3A_445 = arith.addf %add3A_373, %get3A_444 : vector<16xf32>
      %mul3A_446 = arith.constant 4 : i32
      %mul3A_447 = arith.muli %scan3A_159, %mul3A_446 : i32
      %add3A_448 = arith.constant 3 : i32
      %add3A_449 = arith.addi %mul3A_447, %add3A_448 : i32
      %get3A_450 = arith.index_cast %add3A_449 : i32 to index
      %get3A_451 = arith.constant 112 : index
      %get3A_452 = tpu.vector_load %arg6[%get3A_450, %get3A_451] {strides = array<i32>} : memref<160x128xf32, #tpu.memory_space<vmem>>, vector<1x16xf32>,
      %get3A_453 = vector.shape_cast %get3A_452 : vector<1x16xf32> to vector<16xf32>
      %add3A_454 = arith.addf %add3A_382, %get3A_453 : vector<16xf32>
      scf.yield %add3A_391, %add3A_400, %add3A_409, %add3A_418, %add3A_427, %add3A_436, %add3A_445, %add3A_454 : vector<16xf32>, vector<16xf32>, vector<16xf32>, vector<16xf32>, vector<16xf32>, vector<16xf32>, vector<16xf32>, vector<16xf32>
    }
    %scan3A_103 = arith.constant 40 : i32
    %lt3A_104 = arith.constant 3 : i32
    %lt3A_105 = arith.cmpi slt, %select_n3A_32, %lt3A_104 : i32
    %select_n3A_106 = arith.select %lt3A_105, %scan3A_96#0, %scan3A_102#0 : vector<16xf32>
    %lt3A_107 = arith.constant 3 : i32
    %lt3A_108 = arith.cmpi slt, %select_n3A_32, %lt3A_107 : i32
    %select_n3A_109 = arith.select %lt3A_108, %scan3A_96#1, %scan3A_102#1 : vector<16xf32>
    %lt3A_110 = arith.constant 3 : i32
    %lt3A_111 = arith.cmpi slt, %select_n3A_32, %lt3A_110 : i32
    %select_n3A_112 = arith.select %lt3A_111, %scan3A_96#2, %scan3A_102#2 : vector<16xf32>
    %lt3A_113 = arith.constant 3 : i32
    %lt3A_114 = arith.cmpi slt, %select_n3A_32, %lt3A_113 : i32
    %select_n3A_115 = arith.select %lt3A_114, %scan3A_96#3, %scan3A_102#3 : vector<16xf32>
    %lt3A_116 = arith.constant 3 : i32
    %lt3A_117 = arith.cmpi slt, %select_n3A_32, %lt3A_116 : i32
    %select_n3A_118 = arith.select %lt3A_117, %scan3A_96#4, %scan3A_102#4 : vector<16xf32>
    %lt3A_119 = arith.constant 3 : i32
    %lt3A_120 = arith.cmpi slt, %select_n3A_32, %lt3A_119 : i32
    %select_n3A_121 = arith.select %lt3A_120, %scan3A_96#5, %scan3A_102#5 : vector<16xf32>
    %lt3A_122 = arith.constant 3 : i32
    %lt3A_123 = arith.cmpi slt, %select_n3A_32, %lt3A_122 : i32
    %select_n3A_124 = arith.select %lt3A_123, %scan3A_96#6, %scan3A_102#6 : vector<16xf32>
    %lt3A_125 = arith.constant 3 : i32
    %lt3A_126 = arith.cmpi slt, %select_n3A_32, %lt3A_125 : i32
    %select_n3A_127 = arith.select %lt3A_126, %scan3A_96#7, %scan3A_102#7 : vector<16xf32>
    %swap3A = arith.constant 0 : index
    %swap3A_128 = tpu.vector_load %arg7[%swap3A] {strides = array<i32>} : memref<128xf32, #tpu.memory_space<vmem>>, vector<16xf32>,
    %swap3A_129 = vector.shape_cast %swap3A_128 : vector<16xf32> to vector<16xf32>
    %swap3A_130 = vector.shape_cast %select_n3A_106 : vector<16xf32> to vector<16xf32>
    tpu.vector_store %arg7[%swap3A], %swap3A_130 {strides = array<i32>} : memref<128xf32, #tpu.memory_space<vmem>>, vector<16xf32>,
    %swap3A_131 = arith.constant 16 : index
    %swap3A_132 = tpu.vector_load %arg7[%swap3A_131] {strides = array<i32>} : memref<128xf32, #tpu.memory_space<vmem>>, vector<16xf32>,
    %swap3A_133 = vector.shape_cast %swap3A_132 : vector<16xf32> to vector<16xf32>
    %swap3A_134 = vector.shape_cast %select_n3A_109 : vector<16xf32> to vector<16xf32>
    tpu.vector_store %arg7[%swap3A_131], %swap3A_134 {strides = array<i32>} : memref<128xf32, #tpu.memory_space<vmem>>, vector<16xf32>,
    %swap3A_135 = arith.constant 32 : index
    %swap3A_136 = tpu.vector_load %arg7[%swap3A_135] {strides = array<i32>} : memref<128xf32, #tpu.memory_space<vmem>>, vector<16xf32>,
    %swap3A_137 = vector.shape_cast %swap3A_136 : vector<16xf32> to vector<16xf32>
    %swap3A_138 = vector.shape_cast %select_n3A_112 : vector<16xf32> to vector<16xf32>
    tpu.vector_store %arg7[%swap3A_135], %swap3A_138 {strides = array<i32>} : memref<128xf32, #tpu.memory_space<vmem>>, vector<16xf32>,
    %swap3A_139 = arith.constant 48 : index
    %swap3A_140 = tpu.vector_load %arg7[%swap3A_139] {strides = array<i32>} : memref<128xf32, #tpu.memory_space<vmem>>, vector<16xf32>,
    %swap3A_141 = vector.shape_cast %swap3A_140 : vector<16xf32> to vector<16xf32>
    %swap3A_142 = vector.shape_cast %select_n3A_115 : vector<16xf32> to vector<16xf32>
    tpu.vector_store %arg7[%swap3A_139], %swap3A_142 {strides = array<i32>} : memref<128xf32, #tpu.memory_space<vmem>>, vector<16xf32>,
    %swap3A_143 = arith.constant 64 : index
    %swap3A_144 = tpu.vector_load %arg7[%swap3A_143] {strides = array<i32>} : memref<128xf32, #tpu.memory_space<vmem>>, vector<16xf32>,
    %swap3A_145 = vector.shape_cast %swap3A_144 : vector<16xf32> to vector<16xf32>
    %swap3A_146 = vector.shape_cast %select_n3A_118 : vector<16xf32> to vector<16xf32>
    tpu.vector_store %arg7[%swap3A_143], %swap3A_146 {strides = array<i32>} : memref<128xf32, #tpu.memory_space<vmem>>, vector<16xf32>,
    %swap3A_147 = arith.constant 80 : index
    %swap3A_148 = tpu.vector_load %arg7[%swap3A_147] {strides = array<i32>} : memref<128xf32, #tpu.memory_space<vmem>>, vector<16xf32>,
    %swap3A_149 = vector.shape_cast %swap3A_148 : vector<16xf32> to vector<16xf32>
    %swap3A_150 = vector.shape_cast %select_n3A_121 : vector<16xf32> to vector<16xf32>
    tpu.vector_store %arg7[%swap3A_147], %swap3A_150 {strides = array<i32>} : memref<128xf32, #tpu.memory_space<vmem>>, vector<16xf32>,
    %swap3A_151 = arith.constant 96 : index
    %swap3A_152 = tpu.vector_load %arg7[%swap3A_151] {strides = array<i32>} : memref<128xf32, #tpu.memory_space<vmem>>, vector<16xf32>,
    %swap3A_153 = vector.shape_cast %swap3A_152 : vector<16xf32> to vector<16xf32>
    %swap3A_154 = vector.shape_cast %select_n3A_124 : vector<16xf32> to vector<16xf32>
    tpu.vector_store %arg7[%swap3A_151], %swap3A_154 {strides = array<i32>} : memref<128xf32, #tpu.memory_space<vmem>>, vector<16xf32>,
    %swap3A_155 = arith.constant 112 : index
    %swap3A_156 = tpu.vector_load %arg7[%swap3A_155] {strides = array<i32>} : memref<128xf32, #tpu.memory_space<vmem>>, vector<16xf32>,
    %swap3A_157 = vector.shape_cast %swap3A_156 : vector<16xf32> to vector<16xf32>
    %swap3A_158 = vector.shape_cast %select_n3A_127 : vector<16xf32> to vector<16xf32>
    tpu.vector_store %arg7[%swap3A_155], %swap3A_158 {strides = array<i32>} : memref<128xf32, #tpu.memory_space<vmem>>, vector<16xf32>,
    "tpu.region"() ({
      %run_scoped3A = tpu.sem_alloc : memref<!tpu.dma_semaphore, #tpu.memory_space<semaphore_mem>>
      %dma_start3A_159 = arith.constant 0 : i32
      %dma_start3A_160 = tpu.memref_slice %arg3[%add3A, %dma_start3A_159] : memref<32x128xf32, #tpu.memory_space<hbm>> -> memref<1x128xf32, #tpu.memory_space<hbm>>
      %dma_start3A_161 = tpu.memref_squeeze %dma_start3A_160 : memref<1x128xf32, #tpu.memory_space<hbm>> -> memref<128xf32, #tpu.memory_space<hbm>>
      %dma_start3A_162 = arith.constant 0 : i32
      %dma_start3A_163 = tpu.memref_slice %arg3[%add3A, %dma_start3A_162] : memref<32x128xf32, #tpu.memory_space<hbm>> -> memref<1x128xf32, #tpu.memory_space<hbm>>
      %dma_start3A_164 = tpu.memref_squeeze %dma_start3A_163 : memref<1x128xf32, #tpu.memory_space<hbm>> -> memref<128xf32, #tpu.memory_space<hbm>>
      tpu.enqueue_dma source(%arg7 : memref<128xf32, #tpu.memory_space<vmem>>) target(%dma_start3A_164 : memref<128xf32, #tpu.memory_space<hbm>>) target_semaphore(%run_scoped3A : memref<!tpu.dma_semaphore, #tpu.memory_space<semaphore_mem>>)
      %dma_wait3A = arith.constant 0 : i32
      %dma_wait3A_165 = tpu.memref_slice %arg3[%add3A, %dma_wait3A] : memref<32x128xf32, #tpu.memory_space<hbm>> -> memref<1x128xf32, #tpu.memory_space<hbm>>
      %dma_wait3A_166 = tpu.memref_squeeze %dma_wait3A_165 : memref<1x128xf32, #tpu.memory_space<hbm>> -> memref<128xf32, #tpu.memory_space<hbm>>
      %dma_wait3A_167 = arith.constant 0 : i32
      %dma_wait3A_168 = tpu.memref_slice %arg3[%add3A, %dma_wait3A_167] : memref<32x128xf32, #tpu.memory_space<hbm>> -> memref<1x128xf32, #tpu.memory_space<hbm>>
      %dma_wait3A_169 = tpu.memref_squeeze %dma_wait3A_168 : memref<1x128xf32, #tpu.memory_space<hbm>> -> memref<128xf32, #tpu.memory_space<hbm>>
      tpu.wait_dma2 semaphore(%run_scoped3A : memref<!tpu.dma_semaphore, #tpu.memory_space<semaphore_mem>>) src(%arg7 : memref<128xf32, #tpu.memory_space<vmem>>) dst(%dma_wait3A_169 : memref<128xf32, #tpu.memory_space<hbm>>)
      tpu.yield
    }) : () -> ()
    return
  }
}

module attributes {stable_mosaic.version = 14 : i64} {
  func.func @_tc_body(%arg0: i32, %arg1: memref<1x1x8732xi32, #tpu.memory_space<vmem>>, %arg2: memref<1x8732x128xf32, #tpu.memory_space<vmem>>, %arg3: memref<1x128xf32, #tpu.memory_space<vmem>>, %arg4: memref<1x128xf32, #tpu.memory_space<vmem>>, %arg5: memref<2xf32, #tpu.memory_space<smem>>) attributes {dimension_semantics = [#tpu.dimension_semantics<arbitrary>], iteration_bounds = array<i64: 8>, scalar_prefetch = 0 : i64, scratch_operands = 2 : i64, tpu.core_type = #tpu.core_type<tc>, window_params = [{transform_indices = @transform_0, window_bounds = array<i64: 1, 1, 8732>}, {transform_indices = @transform_1, window_bounds = array<i64: 1, 8732, 128>}, {pipeline_mode = #tpu.pipeline_mode<synchronous>, transform_indices = @transform_2, window_bounds = array<i64: 1, 128>}]} {
    %eq3A = arith.constant 0 : i32
    %eq3A_0 = arith.cmpi eq, %arg0, %eq3A : i32
    %convert_element_type3A = arith.extui %eq3A_0 : i1 to i32
    %cond3A = arith.constant 0 : i32
    %cond3A_1 = arith.cmpi ne, %convert_element_type3A, %cond3A : i32
    scf.if %cond3A_1 {
      %broadcast_in_dim3A = arith.constant 0.000000e+00 : f32
      %broadcast_in_dim3A_35 = vector.broadcast %broadcast_in_dim3A : f32 to vector<1x128xf32>
      %swap3A_36 = arith.constant 0 : index
      %swap3A_37 = arith.constant 0 : index
      %swap3A_38 = vector.load %arg4[%swap3A_36, %swap3A_37] : memref<1x128xf32, #tpu.memory_space<vmem>>, vector<1x128xf32>
      tpu.vector_store %arg4[%swap3A_36, %swap3A_37], %broadcast_in_dim3A_35 {strides = array<i32>} : memref<1x128xf32, #tpu.memory_space<vmem>>, vector<1x128xf32>,
      %swap3A_39 = arith.constant 0.000000e+00 : f32
      %swap3A_40 = arith.constant 0 : index
      %swap3A_41 = memref.load %arg5[%swap3A_40] : memref<2xf32, #tpu.memory_space<smem>>
      memref.store %swap3A_39, %arg5[%swap3A_40] : memref<2xf32, #tpu.memory_space<smem>>
    } else {
    }
    %get3A = arith.constant 0 : index
    %get3A_2 = arith.constant 0 : index
    %get3A_3 = arith.constant 0 : index
    %get3A_4 = vector.load %arg1[%get3A, %get3A_2, %get3A_3] : memref<1x1x8732xi32, #tpu.memory_space<vmem>>, vector<1x1x8732xi32>
    %get3A_5 = vector.shape_cast %get3A_4 : vector<1x1x8732xi32> to vector<1x8732xi32>
    %gt3A = arith.constant 0 : i32
    %gt3A_6 = vector.broadcast %gt3A : i32 to vector<1x8732xi32>
    %gt3A_7 = arith.cmpi sgt, %get3A_5, %gt3A_6 : vector<1x8732xi32>
    %convert_element_type3A_8 = arith.extui %gt3A_7 : vector<1x8732xi1> to vector<1x8732xi32>
    %convert_element_type3A_9 = arith.sitofp %convert_element_type3A_8 : vector<1x8732xi32> to vector<1x8732xf32>
    %get3A_10 = arith.constant 0 : index
    %get3A_11 = arith.constant 0 : index
    %get3A_12 = vector.load %arg4[%get3A_10, %get3A_11] : memref<1x128xf32, #tpu.memory_space<vmem>>, vector<1x128xf32>
    %get3A_13 = arith.constant 0 : index
    %get3A_14 = arith.constant 0 : index
    %get3A_15 = arith.constant 0 : index
    %get3A_16 = vector.load %arg2[%get3A_13, %get3A_14, %get3A_15] : memref<1x8732x128xf32, #tpu.memory_space<vmem>>, vector<1x8732x128xf32>
    %get3A_17 = vector.shape_cast %get3A_16 : vector<1x8732x128xf32> to vector<8732x128xf32>
    %dot_general3A = arith.constant dense<0.000000e+00> : vector<1x128xf32>
    %dot_general3A_18 = tpu.matmul %convert_element_type3A_9, %get3A_17, %dot_general3A {dimension_numbers = #tpu.dot_dimension_numbers<[1], [0], [0], [1], [0, 0, 1, 1], [], []>, transpose_lhs_hint = false} : vector<1x8732xf32>, vector<8732x128xf32>, vector<1x128xf32> -> vector<1x128xf32>
    %add3A = arith.addf %get3A_12, %dot_general3A_18 : vector<1x128xf32>
    %swap3A = arith.constant 0 : index
    %swap3A_19 = arith.constant 0 : index
    %swap3A_20 = vector.load %arg4[%swap3A, %swap3A_19] : memref<1x128xf32, #tpu.memory_space<vmem>>, vector<1x128xf32>
    tpu.vector_store %arg4[%swap3A, %swap3A_19], %add3A {strides = array<i32>} : memref<1x128xf32, #tpu.memory_space<vmem>>, vector<1x128xf32>,
    %get3A_21 = arith.constant 0 : index
    %get3A_22 = memref.load %arg5[%get3A_21] : memref<2xf32, #tpu.memory_space<smem>>
    %reduce_sum3A = vector.shape_cast %convert_element_type3A_9 : vector<1x8732xf32> to vector<1x1x8732xf32>
    %reduce_sum3A_23 = arith.constant dense<0.000000e+00> : vector<1xf32>
    %reduce_sum3A_24 = vector.multi_reduction <add>, %reduce_sum3A, %reduce_sum3A_23 [1, 2] : vector<1x1x8732xf32> to vector<1xf32>
    %reduce_sum3A_25 = vector.shape_cast %reduce_sum3A_24 : vector<1xf32> to vector<1x1x1xf32>
    %reduce_sum3A_26 = vector.extract %reduce_sum3A_25[0, 0, 0] : f32 from vector<1x1x1xf32>
    %add3A_27 = arith.addf %get3A_22, %reduce_sum3A_26 : f32
    %swap3A_28 = arith.constant 0 : index
    %swap3A_29 = memref.load %arg5[%swap3A_28] : memref<2xf32, #tpu.memory_space<smem>>
    memref.store %add3A_27, %arg5[%swap3A_28] : memref<2xf32, #tpu.memory_space<smem>>
    %eq3A_30 = arith.constant 7 : i32
    %eq3A_31 = arith.cmpi eq, %arg0, %eq3A_30 : i32
    %convert_element_type3A_32 = arith.extui %eq3A_31 : i1 to i32
    %cond3A_33 = arith.constant 0 : i32
    %cond3A_34 = arith.cmpi ne, %convert_element_type3A_32, %cond3A_33 : i32
    scf.if %cond3A_34 {
      %get3A_35 = arith.constant 0 : index
      %get3A_36 = arith.constant 0 : index
      %get3A_37 = vector.load %arg4[%get3A_35, %get3A_36] : memref<1x128xf32, #tpu.memory_space<vmem>>, vector<1x128xf32>
      %get3A_38 = arith.constant 0 : index
      %get3A_39 = memref.load %arg5[%get3A_38] : memref<2xf32, #tpu.memory_space<smem>>
      %add3A_40 = vector.broadcast %get3A_39 : f32 to vector<1x128xf32>
      %add3A_41 = arith.addf %get3A_37, %add3A_40 : vector<1x128xf32>
      %swap3A_42 = arith.constant 0 : index
      %swap3A_43 = arith.constant 0 : index
      %swap3A_44 = vector.load %arg3[%swap3A_42, %swap3A_43] : memref<1x128xf32, #tpu.memory_space<vmem>>, vector<1x128xf32>
      tpu.vector_store %arg3[%swap3A_42, %swap3A_43], %add3A_41 {strides = array<i32>} : memref<1x128xf32, #tpu.memory_space<vmem>>, vector<1x128xf32>,
    } else {
    }
    return
  }
  func.func @transform_0(%arg0: i32) -> (i32, i32, i32) {
    %c0_i32 = arith.constant 0 : i32
    %c0_i32_0 = arith.constant 0 : i32
    %c0_i32_1 = arith.constant 0 : i32
    return %arg0, %c0_i32, %c0_i32_0 : i32, i32, i32
  }
  func.func @transform_1(%arg0: i32) -> (i32, i32, i32) {
    %c0_i32 = arith.constant 0 : i32
    %c0_i32_0 = arith.constant 0 : i32
    %c0_i32_1 = arith.constant 0 : i32
    return %arg0, %c0_i32, %c0_i32_0 : i32, i32, i32
  }
  func.func @transform_2(%arg0: i32) -> (i32, i32) {
    %c0_i32 = arith.constant 0 : i32
    %c0_i32_0 = arith.constant 0 : i32
    %c0_i32_1 = arith.constant 0 : i32
    return %c0_i32, %c0_i32_0 : i32, i32
  }
}

</mosaic_0001>

<sc_bundles>
// kernel: kernel.4.cloned.1.call-start
scs
__scs_entry_jumppad:
0x0: {  	(pc) =	sbr.rel $0x88, $3  }
0x1: {  	(tag) =	ssettag $0x0;
	lr =	simm.s32 $0x1  }
0x2: {  	[smem:$0x3F9F] =	sst lr;
	_ =	strace $0xD0000000  }
0x3: {  	_ = 	snop  }
0x4: {  	_ = 	snop  }
0x5: {  	_ = 	snop  }
0x6: {  	_ = 	snop  }
0x7: {  	_ = 	snop  }
__scs_overlays_trampoline_lowered:
0x8: {  	[smem:$0x3FAE] =	sst s0  }
0x9: {  	[smem:$0x3FAF] =	sst s1  }
0xa: {  	[smem:$0x3FB0] =	sst s2  }
0xb: {  	[smem:$0x3FB1] =	sst s3  }
0xc: {  	[smem:$0x3FB2] =	sst s4  }
0xd: {  	[smem:$0x3FB3] =	sst s5  }
0xe: {  	[smem:$0x3FB4] =	sst s6  }
0xf: {  	[smem:$0x3FB5] =	sst s7  }
0x10: {  	[smem:$0x3FB6] =	sst s8  }
0x11: {  	[smem:$0x3FB7] =	sst s9;
	s0 =	simm.s32 @!p0 $0x0  }
0x12: {  	s1 =	sld [smem:$0x3F9D];
	s0 =	simm.s32 @p0 $0x1  }
0x13: {  	[smem:$0x3FB8] =	sst s0;
	s0 =	simm.s32 @!p1 $0x0  }
0x14: {  	s2 =	sld [smem:$0x3F9C];
	s0 =	simm.s32 @p1 $0x1  }
0x15: {  	[smem:$0x3FB9] =	sst s0;
	s0 =	simm.s32 @!p2 $0x0  }
0x16: {  	s3 =	sld [smem:$0x3FDB];
	s0 =	simm.s32 @p2 $0x1  }
0x17: {  	s4 =	simm.s32 $0x1BF5;
	[smem:$0x3FBB] =	sst s0  }
0x18: {  	s0 =	sld [smem:$0x3F9E];
	_ =	swait.ge [sflag:s4], $0x0  }
0x19: {  	s7 =	sld [smem:$0x3F9F]  }
0x1a: {  	s8 =	sadd.s32 $0xFFFFE003, lr  }
0x1b: {  	s9 =	sadd.s32 $0xFFFFFEF7, lr;
	s5 =	simm.s32 $0xFFFFFFFF;
	p2 =	slt.u32 s8, $0xFFFFF086  }
0x1c: {  	p1 =	slt.u32 s9, $0xF7A;
	s5 =	simm.s32 @!p2 $0x0  }
0x1d: {  	s5 =	simm.s32 @p1 $0x1;
	p0 =	seq.s32 s7, s2  }
0x1e: {  	s7 =	smul.u32 @!p0 $0xF7A, s2;
	p2 =	seq.s32 @!p0 s5, $0x0  }
0x1f: {  	s9 =	smul.u32 $0xF7A, s1;
	s8 =	simm.s32 @!p0 $0x1BF5;
	p2 =	por !p2, p0  }
0x20: {  	[sflag:s8] =	ssyncset.s32 @!p0 $0xFFFFF086;
	s6 =	sadd.s32 @!p0 s3, s7;
	s7 =	simm.s32 @!p0 $0x108  }
0x21: {  	s3 =	sadd.s32 s3, s9;
	s6 =	sadd.s32 @!p0 $0x88, s6;
	s7 =	simm.s32 @p2 $0x1082  }
0x22: {  	[simem:s7], [sflag:s8] =	dma.local @!p0 [hbm:s6], $0xF7A  }
0x23: {  	s9 =	sor.u32 $0xD0000000, s2;
	s6 =	simm.s32 $0x108;
	_ =	swait.ge @!p0 [sflag:s8], $0x0  }
0x24: {  	s3 =	sadd.s32 $0x88, s3;
	s6 =	simm.s32 @!p1 $0x1082;
	[sflag:s4] =	ssyncset.s32 $0xFFFFF086  }
0x25: {  	[simem:s6], [sflag:s4] =	dma.local [hbm:s3], $0xF7A  }
0x26: {  	[smem:$0x3F9F] =	sst s1;
	(tag) =	ssettag s2;
	_ =	strace s9  }
0x27: {  	s1 =	sld [smem:$0x3FAF]  }
0x28: {  	s2 =	sld [smem:$0x3FB0]  }
0x29: {  	s4 =	sld [smem:$0x3FB2]  }
0x2a: {  	p0 =	seq.s32 s5, $0x0;
	s5 =	sld [smem:$0x3FB3]  }
0x2b: {  	s6 =	sld [smem:$0x3FB4]  }
0x2c: {  	s7 =	sld [smem:$0x3FB5]  }
0x2d: {  	s3 =	simm.s32 $0x108;
	s8 =	sld [smem:$0x3FB6]  }
0x2e: {  	s3 =	simm.s32 @!p0 $0x1082;
	s9 =	sld [smem:$0x3FB7]  }
0x2f: {  	lr =	sadd.s32 s0, s3;
	s0 =	sld [smem:$0x3FAE]  }
0x30: {  	s3 =	sld [smem:$0x3FB1]  }
0x31: {  	[smem:$0x3FBA] =	sst s10  }
0x32: {  	s10 =	sld [smem:$0x3FB8];
	_ =	sdelay $0x3  }
0x33: {  	p0 =	seq.s32 s10, $0x1;
	s10 =	sld [smem:$0x3FBA];
	_ =	sdelay $0x3  }
0x34: {  	[smem:$0x3FBA] =	sst s10  }
0x35: {  	s10 =	sld [smem:$0x3FB9];
	_ =	sdelay $0x3  }
0x36: {  	p1 =	seq.s32 s10, $0x1;
	s10 =	sld [smem:$0x3FBA];
	_ =	sdelay $0x3  }
0x37: {  	[smem:$0x3FBA] =	sst s10  }
0x38: {  	s10 =	sld [smem:$0x3FBB]  }
0x39: {  	_ = 	snop;
	(pc) =	sbr.ind lr, $3  }
0x3a: {  	_ = 	snop  }
0x3b: {  	_ = 	snop  }
0x3c: {  	p2 =	seq.s32 s10, $0x1;
	s10 =	sld [smem:$0x3FBA]  }
0x3d: {  	_ =	shalt  }
0x3e: {  	_ =	shalt  }
0x3f: {  	_ =	shalt  }
0x40: {  	_ =	shalt  }
0x41: {  	_ =	shalt  }
0x42: {  	_ =	shalt  }
0x43: {  	_ =	shalt  }
0x44: {  	_ =	shalt  }
0x45: {  	_ =	shalt  }
0x46: {  	_ =	shalt  }
0x47: {  	_ =	shalt  }
0x48: {  	_ =	shalt  }
0x49: {  	_ =	shalt  }
0x4a: {  	_ =	shalt  }
0x4b: {  	_ =	shalt  }
0x4c: {  	_ =	shalt  }
0x4d: {  	_ =	shalt  }
0x4e: {  	_ =	shalt  }
0x4f: {  	_ =	shalt  }
0x50: {  	_ =	shalt  }
0x51: {  	_ =	shalt  }
0x52: {  	_ =	shalt  }
0x53: {  	_ =	shalt  }
0x54: {  	_ =	shalt  }
0x55: {  	_ =	shalt  }
0x56: {  	_ =	shalt  }
0x57: {  	_ =	shalt  }
0x58: {  	_ =	shalt  }
0x59: {  	_ =	shalt  }
0x5a: {  	_ =	shalt  }
0x5b: {  	_ =	shalt  }
0x5c: {  	_ =	shalt  }
0x5d: {  	_ =	shalt  }
0x5e: {  	_ =	shalt  }
0x5f: {  	_ =	shalt  }
0x60: {  	_ =	shalt  }
0x61: {  	_ =	shalt  }
0x62: {  	_ =	shalt  }
0x63: {  	_ =	shalt  }
0x64: {  	_ =	shalt  }
0x65: {  	_ =	shalt  }
0x66: {  	_ =	shalt  }
0x67: {  	_ =	shalt  }
0x68: {  	_ =	shalt  }
0x69: {  	_ =	shalt  }
0x6a: {  	_ =	shalt  }
0x6b: {  	_ =	shalt  }
0x6c: {  	_ =	shalt  }
0x6d: {  	_ =	shalt  }
0x6e: {  	_ =	shalt  }
0x6f: {  	_ =	shalt  }
0x70: {  	_ =	shalt  }
0x71: {  	_ =	shalt  }
0x72: {  	_ =	shalt  }
0x73: {  	_ =	shalt  }
0x74: {  	_ =	shalt  }
0x75: {  	_ =	shalt  }
0x76: {  	_ =	shalt  }
0x77: {  	_ =	shalt  }
0x78: {  	_ =	shalt  }
0x79: {  	_ =	shalt  }
0x7a: {  	_ =	shalt  }
0x7b: {  	_ =	shalt  }
0x7c: {  	_ =	shalt  }
0x7d: {  	_ =	shalt  }
0x7e: {  	_ =	shalt  }
0x7f: {  	_ =	shalt  }
0x80: {  	_ =	shalt  }
0x81: {  	_ =	shalt  }
0x82: {  	_ =	shalt  }
0x83: {  	_ =	shalt  }
0x84: {  	_ =	shalt  }
0x85: {  	_ =	shalt  }
0x86: {  	_ =	shalt  }
0x87: {  	_ =	shalt  }
.Lfunc_end0:
.L_simem_size_0:
called_computation_lowered:
.L_overlay_start_0:
0x88: {  	s2 =	sld [smem:$0x3FD9]  }
0x89: {  	s3 =	sld [smem:$0x3FFE];
	_ =	sdelay $0x1  }
0x8a: {  	s1 =	srdreg.scid  }
0x8b: {  	s0 =	sand.u32 $0x1, s1  }
0x8c: {  	s16 =	sshll.u32 s0, $0xA;
	s2 =	sadd.s32 s3, s2  }
0x8d: {  	s2 =	sadd.s32 s2, s16  }
0x8e: {  	[smem:$0x3FC6] =	sst s2  }
0x8f: {  	_ = 	snop  }
0x90: {  	(tm) =	ssettm $0x1  }
0x91: {  	s17 =	sld [smem:$0x3FFB];
	_ =	sdelay $0x3  }
0x92: {  	_ =	strace s17  }
0x93: {  	s2 =	sld [smem:$0x3FFC];
	_ =	sdelay $0x3  }
0x94: {  	_ =	strace s2  }
0x95: {  	s2 =	sld [smem:$0x3FFD];
	_ =	sdelay $0x3  }
0x96: {  	_ =	strace s2  }
0x97: {  	_ =	strace $0x8FFFFFFF  }
0x98: {  	s18 =	sld [smem:$0x3FDB];
	_ =	sdelay $0x1  }
0x99: {  	s19 =	simm.s32 $_scs_section_size  }
0x9a: {  	s4 =	simm.s32 $_size__tile_overlayer_lowered;
	s5 =	simm.s32 $_tile_overlayer_lowered  }
0x9b: {  	s22 =	simm.s32 $0x1BFF;
	s21 =	sshll.u32 s5, $0x1;
	s2 =	sadd.s32 s19, s18  }
0x9c: {  	s6 =	simm.s32 $0x0;
	s20 =	sshll.u32 s4, $0x1;
	s4 =	sadd.s32 s21, s2  }
0x9d: {  	[timem:s6], [sflag:s22] =	dma.local [hbm:s4], s20  }
0x9e: {  	_ =	swait.ge [sflag:s22], s20  }
0x9f: {  	s3 =	ssub.s32 $0x0, s20;
	[sflag:s22] =	ssyncset.done $0x0  }
0xa0: {  	[sflag:s22] =	ssyncadd.s32 s3;
	_ =	sdelay $0x1  }
0xa1: {  	s23 =	simm.s32 $0x1B8B  }
0xa2: {  	_ =	swait.ge [sflag:s23], $0x1  }
0xa3: {  	[sflag:s23] =	ssyncset.done $0x0  }
0xa4: {  	s25 =	simm.s32 $0x1B8E;
	s24 =	sld [smem:$0x3FFE];
	[sflag:s23] =	ssyncadd.s32 $0xFFFFFFFF  }
0xa5: {  	s26 =	simm.s32 $execute0_lowered;
	[smem:$0x3FD2] =	sst s25  }
0xa6: {  	s4 =	sshll.u32 s26, $0x1;
	_ =	strace $0x80000046;
	[dreg:$0x1] =	wrdreg $0xFFFFFFFF  }
0xa7: {  	s28 =	simm.s32 $_size_execute0_lowered;
	s2 =	sadd.s32 s2, s4;
	[dreg:$0x0] =	wrdreg $0x0  }
0xa8: {  	s4 =	sshll.u32 s28, $0x1;
	[dreg:$0x2] =	wrdreg s2  }
0xa9: {  	[dreg:$0x3] =	wrdreg s4  }
0xaa: {  	[dreg:$0x4] =	wrdreg $0xC0  }
0xab: {  	_ =	task [dreg:s6], $0x5FFFF  }
0xac: {  	[dreg:$0x1] =	wrdreg $0xFFFFFFFF  }
0xad: {  	[dreg:$0x0] =	wrdreg $0x60  }
0xae: {  	[dreg:$0x2] =	wrdreg s24  }
0xaf: {  	[dreg:$0x3] =	wrdreg $0x9  }
0xb0: {  	_ =	task.clear_ibuf [dreg:s6], $0x4FFFF;
	_ =	strace $0x90000046  }
0xb1: {  	s29 =	simm.s32 $0x9;
	_ =	strace $0x80000048  }
0xb2: {  	_ =	swait.ge [sflag:s29], $0x1  }
0xb3: {  	[sflag:s29] =	ssyncadd.s32 $0xFFFFFFFF  }
0xb4: {  	_ =	strace $0x90000048  }
0xb5: {  	_ =	sfence  }
0xb6: {  	s30 =	sld [smem:$0x0];
	_ =	sdelay $0x2  }
0xb7: {  	s31 =	sshll.u32 s1, $0xD;
	s1 =	sshrl.u32 s1, $0x2  }
0xb8: {  	s3 =	sand.u32 $0x4000, s31;
	s1 =	sadd.s32 s1, s30  }
0xb9: {  	s0 =	sor.u32 s3, s0;
	s1 =	sshll.u32 s1, $0x11  }
0xba: {  	s0 =	sor.u32 s1, s0  }
0xbb: {  	s0 =	sadd.s32 $0x8F2B, s0  }
0xbc: {  	[sflag:s0] =	ssyncadd.remote.s32 $0x1  }
0xbd: {  	_ =	sfence.sel $0xFFFF  }
0xbe: {  	[dreg:$0x0] =	wrdreg $0xFFFFFFFF;
	(pc) =	sbr.abs _section_cstart, $3  }
0xbf: {  	[dreg:$0x1] =	wrdreg $0xFFFFFFFF  }
0xc0: {  	_ =	task.clear_ibuf [dreg:s6], $0x2FFFF;
	_ =	strace $0x9FFFFFFF  }
0xc1: {  	(tm) =	ssettm $0x7FFFFFFF  }
tec
execute0_lowered:
.L_overlay_start_1:
0x0: {  	(tag) =	ssettag $0x1  }
0x1: {  	s2 =	rddreg [dreg:$0x0]  }
0x2: {  	s0 =	rddreg [dreg:$0x1]  }
0x3: {  	s4 =	srdreg.scid;
	s1 =	stileid.u32  }
0x4: {  	s3 =	simm.s32 $0x0;
	s14 =	simm.s32 $0x1;
	s15 =	simm.s32 $0x2  }
0x5: {  	s16 =	simm.s32 $0x14C00;
	s17 =	simm.s32 $0x4;
	s18 =	simm.s32 $0x0  }
0x6: {  	s4 =	sand.u32 $0x1, s4;
	s5 =	sshll.u32 s1, $0x1;
	[smem:$0x7FF] =	sst s3  }
0x7: {  	s6 =	sshrl.u32 s1, $0x1;
	s5 =	sor.u32 s4, s5;
	s4 =	ssub.s32 $0x2, s4  }
0x8: {  	s6 =	smul.u32 $0x111000, s6;
	_ =	strace $0x80000047;
	s13 =	sand.u32 $0x3, s5  }
0x9: {  	s5 =	sshll.u32 s5, $0x4;
	s7 =	sshrl.u32 s4, $0x1;
	s8 =	smul.u32 $0x44400, s13  }
0xa: {  	s11 =	sadd.s32 s5, s2;
	s12 =	ssub.s32 s4, s7;
	s10 =	smul.u32 $0x888, s13  }
0xb: {  	s4 =	sadd.s32 $0x888000, s6;
	p0 =	seq.s32 s13, $0x3;
	s13 =	simm.s32 $0x5400  }
0xc: {  	s11 =	sadd.s32 $0x222000, s11;
	s12 =	smax.u32 s12, $0x1;
	s30 =	sadd.s32 s8, s6  }
0xd: {  	s6 =	sshrl.u32 s6, $0x3;
	s31 =	sadd.s32 s4, s8;
	s9 =	sadd.s32 $0x150, s10  }
0xe: {  	s5 =	sshrl.u32 s30, $0x3;
	s6 =	sadd.s32 s2, s6;
	s7 =	sshrl.u32 s31, $0x3  }
0xf: {  	s5 =	sadd.s32 s2, s5;
	s6 =	sadd.s32 $0x132780, s6;
	s7 =	sadd.s32 s2, s7  }
0x10: {  	s10 =	sadd.s32 $0x1F8, s10;
	s5 =	sadd.s32 $0x118E00, s5;
	s8 =	sadd.s32 $0xA80, s7  }
.LBB2_1:
0x11: {  	s19 =	simm.s32 @p0 $0x0;
	s20 =	simm.s32 @p0 $0xFC00  }
0x12: {  	[tilespmem:s20], [sflag:$0x3] =	stream.linear.gather @p0 [hbm4b:s6+s19], $0x5000, $0x38;
	[tilespmem:$0x14C80] =	vst v63  }
0x13: {  	s19 =	simm.s32 @!p0 $0x0;
	s20 =	simm.s32 @!p0 $0xA800  }
0x14: {  	[tilespmem:s20], [sflag:$0x3] =	stream.linear.gather @!p0 [hbm4b:s5+s19], $0x5400, $0x38;
	[tilespmem:$0x14C80] =	vst v63  }
0x15: {  	_ = 	snop  }
0x16: {  	v0 =	vimm.f32 $0.0e+00;
	v1 =	vimm.f32 $0.0e+00;
	[tilespmem:s3], [sflag:$0x1] =	stream.linear.gather [hbm4b:s7+s3], $0x5400, $0x38;
	[tilespmem:$0x14C80] =	vst v63  }
0x17: {  	v2 =	vimm.f32 $0.0e+00;
	v3 =	vimm.f32 $0.0e+00;
	v4 =	vimm.f32 $0.0e+00;
	s19 =	simm.s32 $0x0  }
0x18: {  	v5 =	vimm.f32 $0.0e+00;
	v6 =	vimm.f32 $0.0e+00;
	v7 =	vimm.f32 $0.0e+00;
	[tilespmem:s13], [sflag:$0x2] =	stream.linear.gather [hbm4b:s8+s3], $0x5400, $0x38;
	[tilespmem:$0x14C80] =	vst v63  }
.LBB2_2:
0x19: {  	_ =	swait.ge [sflag:s14], $0x5400  }
0x1a: {  	[sflag:s14] =	ssyncset.done $0x0  }
0x1b: {  	s20 =	simm.s32 $0x0;
	[sflag:s14] =	ssyncadd.s32 $0xFFFFAC00  }
0x1c: {  	v14 =	vld [tilespmem:s20+$0x180]  }
0x1d: {  	v15 =	vld [tilespmem:s20+$0x190]  }
0x1e: {  	v16 =	vld [tilespmem:s20+$0x1A0]  }
0x1f: {  	v17 =	vld [tilespmem:s20+$0x1B0]  }
0x20: {  	v8 =	vld [tilespmem:s20+$0x1C0]  }
0x21: {  	v9 =	vld [tilespmem:s20+$0x1D0]  }
0x22: {  	v21 =	vld [tilespmem:s20+$0x100]  }
0x23: {  	v23 =	vld [tilespmem:s20+$0x110]  }
0x24: {  	v19 =	vld [tilespmem:s20+$0x120]  }
0x25: {  	v22 =	vld [tilespmem:s20+$0x130]  }
0x26: {  	v12 =	vld [tilespmem:s20+$0x140]  }
0x27: {  	v13 =	vld [tilespmem:s20+$0x150]  }
0x28: {  	v10 =	vld [tilespmem:s20+$0x80]  }
0x29: {  	v11 =	vld [tilespmem:s20+$0x90]  }
0x2a: {  	v18 =	vld [tilespmem:s20+$0x0]  }
0x2b: {  	v20 =	vld [tilespmem:s20+$0x10]  }
0x2c: {  	v25 =	vld [tilespmem:s20+$0x20]  }
0x2d: {  	v27 =	vld [tilespmem:s20+$0x30]  }
0x2e: {  	v32 =	vld [tilespmem:s20+$0xA0]  }
0x2f: {  	v33 =	vld [tilespmem:s20+$0xB0]  }
0x30: {  	v24 =	vld [tilespmem:s20+$0xC0]  }
0x31: {  	v26 =	vld [tilespmem:s20+$0xD0];
	v7 =	vadd.f32 v18, v7;
	v6 =	vadd.f32 v20, v6  }
0x32: {  	v28 =	vld [tilespmem:s20+$0x50];
	v5 =	vadd.f32 v25, v5;
	v4 =	vadd.f32 v27, v4  }
0x33: {  	v29 =	vld [tilespmem:s20+$0x60];
	v30 =	vadd.f32 v10, v7;
	v31 =	vadd.f32 v11, v6  }
0x34: {  	s21 =	simm.s32 $0x800;
	v27 =	vld [tilespmem:s20+$0x40];
	v32 =	vadd.f32 v32, v5;
	v33 =	vadd.f32 v33, v4  }
.LBB2_3:
0x35: {  	p1 =	sne.s32 s21, $0x14800;
	v4 =	vld [tilespmem:s20+$0x70];
	v5 =	vadd.f32 v21, v30;
	v6 =	vadd.f32 v23, v31  }
0x36: {  	v7 =	vld [tilespmem:s20+$0xE0];
	v10 =	vadd.f32 v19, v32;
	v11 =	vadd.f32 v22, v33  }
0x37: {  	v18 =	vld [tilespmem:s20+$0xF0];
	v5 =	vadd.f32 v14, v5;
	v6 =	vadd.f32 v15, v6  }
0x38: {  	v19 =	vld [tilespmem:s20+$0x160];
	v10 =	vadd.f32 v16, v10;
	v11 =	vadd.f32 v17, v11  }
0x39: {  	v3 =	vadd.f32 v27, v3;
	v2 =	vadd.f32 v28, v2;
	v17 =	vld [tilespmem:s20+$0x170]  }
0x3a: {  	v1 =	vadd.f32 v29, v1;
	v0 =	vadd.f32 v4, v0;
	v4 =	vld [tilespmem:s20+$0x1E0]  }
0x3b: {  	v3 =	vadd.f32 v24, v3;
	v2 =	vadd.f32 v26, v2;
	v20 =	vld [tilespmem:s20+$0x1F0];
	s20 =	sshra.s32 s21, $0x2  }
0x3c: {  	v1 =	vadd.f32 v7, v1;
	v14 =	vld [tilespmem:s20+$0x180];
	v0 =	vadd.f32 v18, v0  }
0x3d: {  	v3 =	vadd.f32 v12, v3;
	v2 =	vadd.f32 v13, v2;
	v15 =	vld [tilespmem:s20+$0x190]  }
0x3e: {  	v1 =	vadd.f32 v19, v1;
	v16 =	vld [tilespmem:s20+$0x1A0];
	v0 =	vadd.f32 v17, v0  }
0x3f: {  	v3 =	vadd.f32 v8, v3;
	v2 =	vadd.f32 v9, v2;
	v17 =	vld [tilespmem:s20+$0x1B0]  }
0x40: {  	v1 =	vadd.f32 v4, v1;
	v8 =	vld [tilespmem:s20+$0x1C0];
	v0 =	vadd.f32 v20, v0  }
0x41: {  	v9 =	vld [tilespmem:s20+$0x1D0]  }
0x42: {  	v21 =	vld [tilespmem:s20+$0x100]  }
0x43: {  	v23 =	vld [tilespmem:s20+$0x110]  }
0x44: {  	v19 =	vld [tilespmem:s20+$0x120]  }
0x45: {  	v22 =	vld [tilespmem:s20+$0x130]  }
0x46: {  	v12 =	vld [tilespmem:s20+$0x140]  }
0x47: {  	v13 =	vld [tilespmem:s20+$0x150]  }
0x48: {  	v4 =	vld [tilespmem:s20+$0x80]  }
0x49: {  	v7 =	vld [tilespmem:s20+$0x90]  }
0x4a: {  	v18 =	vld [tilespmem:s20+$0x0]  }
0x4b: {  	v20 =	vld [tilespmem:s20+$0x10]  }
0x4c: {  	v25 =	vld [tilespmem:s20+$0x20]  }
0x4d: {  	v27 =	vld [tilespmem:s20+$0x30]  }
0x4e: {  	v32 =	vld [tilespmem:s20+$0xA0]  }
0x4f: {  	v33 =	vld [tilespmem:s20+$0xB0]  }
.Ltmp0:
0x50: {  	v24 =	vld [tilespmem:s20+$0xC0];
	(pc) =	sbr.rel @p1 .LBB2_3-.Ltmp0, $4  }
0x51: {  	v5 =	vadd.f32 v18, v5;
	v6 =	vadd.f32 v20, v6;
	v26 =	vld [tilespmem:s20+$0xD0]  }
0x52: {  	v10 =	vadd.f32 v25, v10;
	v11 =	vadd.f32 v27, v11;
	v27 =	vld [tilespmem:s20+$0x40]  }
0x53: {  	v30 =	vadd.f32 v4, v5;
	v31 =	vadd.f32 v7, v6;
	v28 =	vld [tilespmem:s20+$0x50]  }
0x54: {  	s21 =	sadd.s32 $0x800, s21;
	v32 =	vadd.f32 v32, v10;
	v29 =	vld [tilespmem:s20+$0x60];
	v33 =	vadd.f32 v33, v11  }
0x55: {  	p1 =	seq.s32 s19, $0x5  }
0x56: {  	v34 =	vld [tilespmem:s20+$0x70];
	s21 =	smul.u32 @!p1 $0x150, s19  }
0x57: {  	v35 =	vld [tilespmem:s20+$0xE0]  }
0x58: {  	v36 =	vld [tilespmem:s20+$0xF0];
	s21 =	sadd.s32 @!p1 s21, s9  }
0x59: {  	v37 =	vld [tilespmem:s20+$0x160];
	s21 =	sshll.u32 @!p1 s21, $0x7  }
0x5a: {  	v38 =	vld [tilespmem:s20+$0x170];
	s21 =	sadd.s32 @!p1 s4, s21  }
0x5b: {  	v39 =	vld [tilespmem:s20+$0x1E0];
	s21 =	sshrl.u32 @!p1 s21, $0x3  }
0x5c: {  	v40 =	vld [tilespmem:s20+$0x1F0];
	s20 =	sadd.s32 @!p1 s2, s21;
	s21 =	simm.s32 @!p1 $0x0  }
0x5d: {  	[tilespmem:s21], [sflag:$0x1] =	stream.linear.gather @!p1 [hbm4b:s20+s21], $0x5400, $0x38;
	[tilespmem:$0x14C80] =	vst v63  }
0x5e: {  	_ =	swait.ge [sflag:s15], $0x5400  }
0x5f: {  	[sflag:s15] =	ssyncset.done $0x0  }
0x60: {  	s20 =	simm.s32 $0x0;
	[sflag:s15] =	ssyncadd.s32 $0xFFFFAC00  }
0x61: {  	v4 =	vld [tilespmem:s20+$0x5580]  }
0x62: {  	v5 =	vld [tilespmem:s20+$0x5590]  }
0x63: {  	v18 =	vld [tilespmem:s20+$0x55A0]  }
0x64: {  	v20 =	vld [tilespmem:s20+$0x55B0]  }
0x65: {  	v10 =	vld [tilespmem:s20+$0x55C0]  }
0x66: {  	v11 =	vld [tilespmem:s20+$0x55D0]  }
0x67: {  	v7 =	vld [tilespmem:s20+$0x5500]  }
0x68: {  	v25 =	vld [tilespmem:s20+$0x5510]  }
0x69: {  	v6 =	vld [tilespmem:s20+$0x5520]  }
0x6a: {  	v30 =	vadd.f32 v21, v30;
	v23 =	vadd.f32 v23, v31;
	v21 =	vld [tilespmem:s20+$0x5530]  }
0x6b: {  	v60 =	vadd.f32 v19, v32;
	v22 =	vadd.f32 v22, v33;
	v19 =	vld [tilespmem:s20+$0x5540]  }
0x6c: {  	v30 =	vadd.f32 v14, v30;
	v15 =	vadd.f32 v15, v23;
	v14 =	vld [tilespmem:s20+$0x5550]  }
0x6d: {  	v3 =	vadd.f32 v27, v3;
	v17 =	vadd.f32 v17, v22;
	v22 =	vld [tilespmem:s20+$0x5480]  }
0x6e: {  	v16 =	vadd.f32 v16, v60;
	v2 =	vadd.f32 v28, v2;
	v23 =	vld [tilespmem:s20+$0x5490]  }
0x6f: {  	v1 =	vadd.f32 v29, v1;
	v0 =	vadd.f32 v34, v0;
	v27 =	vld [tilespmem:s20+$0x5400]  }
0x70: {  	v3 =	vadd.f32 v24, v3;
	v2 =	vadd.f32 v26, v2;
	v24 =	vld [tilespmem:s20+$0x5410]  }
0x71: {  	v1 =	vadd.f32 v35, v1;
	v0 =	vadd.f32 v36, v0;
	v26 =	vld [tilespmem:s20+$0x5420]  }
0x72: {  	v3 =	vadd.f32 v12, v3;
	v2 =	vadd.f32 v13, v2;
	v12 =	vld [tilespmem:s20+$0x5430]  }
0x73: {  	v13 =	vadd.f32 v37, v1;
	v61 =	vadd.f32 v38, v0;
	v62 =	vld [tilespmem:s20+$0x54A0]  }
0x74: {  	v0 =	vadd.f32 v8, v3;
	v1 =	vadd.f32 v9, v2;
	v63 =	vld [tilespmem:s20+$0x54B0]  }
0x75: {  	v2 =	vadd.f32 v39, v13;
	v3 =	vadd.f32 v40, v61;
	v8 =	vld [tilespmem:s20+$0x54C0]  }
0x76: {  	v9 =	vld [tilespmem:s20+$0x54D0];
	v27 =	vadd.f32 v27, v30;
	v15 =	vadd.f32 v24, v15  }
0x77: {  	v13 =	vld [tilespmem:s20+$0x5450];
	v24 =	vadd.f32 v26, v16;
	v26 =	vadd.f32 v12, v17  }
0x78: {  	v12 =	vld [tilespmem:s20+$0x5440];
	v16 =	vadd.f32 v22, v27;
	v17 =	vadd.f32 v23, v15  }
0x79: {  	s21 =	simm.s32 $0x800;
	v15 =	vld [tilespmem:s20+$0x5460];
	v22 =	vadd.f32 v62, v24;
	v23 =	vadd.f32 v63, v26  }
.LBB2_5:
0x7a: {  	p2 =	sne.s32 s21, $0x14800;
	v24 =	vld [tilespmem:s20+$0x5470];
	v7 =	vadd.f32 v7, v16;
	v16 =	vadd.f32 v25, v17  }
0x7b: {  	v17 =	vld [tilespmem:s20+$0x54E0];
	v6 =	vadd.f32 v6, v22;
	v21 =	vadd.f32 v21, v23  }
0x7c: {  	v22 =	vld [tilespmem:s20+$0x54F0];
	v23 =	vadd.f32 v4, v7;
	v16 =	vadd.f32 v5, v16  }
0x7d: {  	v7 =	vld [tilespmem:s20+$0x5560];
	v26 =	vadd.f32 v18, v6;
	v27 =	vadd.f32 v20, v21  }
0x7e: {  	v0 =	vadd.f32 v12, v0;
	v1 =	vadd.f32 v13, v1;
	v6 =	vld [tilespmem:s20+$0x5570]  }
0x7f: {  	v2 =	vadd.f32 v15, v2;
	v3 =	vadd.f32 v24, v3;
	v12 =	vld [tilespmem:s20+$0x55E0]  }
0x80: {  	v0 =	vadd.f32 v8, v0;
	v1 =	vadd.f32 v9, v1;
	v8 =	vld [tilespmem:s20+$0x55F0];
	s20 =	sshra.s32 s21, $0x2  }
0x81: {  	v2 =	vadd.f32 v17, v2;
	v4 =	vld [tilespmem:s20+$0x5580];
	v3 =	vadd.f32 v22, v3  }
0x82: {  	v0 =	vadd.f32 v19, v0;
	v1 =	vadd.f32 v14, v1;
	v5 =	vld [tilespmem:s20+$0x5590]  }
0x83: {  	v2 =	vadd.f32 v7, v2;
	v18 =	vld [tilespmem:s20+$0x55A0];
	v3 =	vadd.f32 v6, v3  }
0x84: {  	v0 =	vadd.f32 v10, v0;
	v1 =	vadd.f32 v11, v1;
	v20 =	vld [tilespmem:s20+$0x55B0]  }
0x85: {  	v2 =	vadd.f32 v12, v2;
	v10 =	vld [tilespmem:s20+$0x55C0];
	v3 =	vadd.f32 v8, v3  }
0x86: {  	v11 =	vld [tilespmem:s20+$0x55D0]  }
0x87: {  	v7 =	vld [tilespmem:s20+$0x5500]  }
0x88: {  	v25 =	vld [tilespmem:s20+$0x5510]  }
0x89: {  	v6 =	vld [tilespmem:s20+$0x5520]  }
0x8a: {  	v21 =	vld [tilespmem:s20+$0x5530]  }
0x8b: {  	v19 =	vld [tilespmem:s20+$0x5540]  }
0x8c: {  	v14 =	vld [tilespmem:s20+$0x5550]  }
0x8d: {  	v15 =	vld [tilespmem:s20+$0x5480]  }
0x8e: {  	v17 =	vld [tilespmem:s20+$0x5490]  }
0x8f: {  	v9 =	vld [tilespmem:s20+$0x5400]  }
0x90: {  	v12 =	vld [tilespmem:s20+$0x5410]  }
0x91: {  	v13 =	vld [tilespmem:s20+$0x5420]  }
0x92: {  	v22 =	vld [tilespmem:s20+$0x5430]  }
0x93: {  	v24 =	vld [tilespmem:s20+$0x54A0]  }
0x94: {  	v28 =	vld [tilespmem:s20+$0x54B0]  }
.Ltmp1:
0x95: {  	v8 =	vld [tilespmem:s20+$0x54C0];
	(pc) =	sbr.rel @p2 .LBB2_5-.Ltmp1, $4  }
0x96: {  	v23 =	vadd.f32 v9, v23;
	v29 =	vadd.f32 v12, v16;
	v9 =	vld [tilespmem:s20+$0x54D0]  }
0x97: {  	v26 =	vadd.f32 v13, v26;
	v27 =	vadd.f32 v22, v27;
	v12 =	vld [tilespmem:s20+$0x5440]  }
0x98: {  	v16 =	vadd.f32 v15, v23;
	v17 =	vadd.f32 v17, v29;
	v13 =	vld [tilespmem:s20+$0x5450]  }
0x99: {  	s21 =	sadd.s32 $0x800, s21;
	v22 =	vadd.f32 v24, v26;
	v15 =	vld [tilespmem:s20+$0x5460];
	v23 =	vadd.f32 v28, v27  }
0x9a: {  	v24 =	vld [tilespmem:s20+$0x5470];
	v7 =	vadd.f32 v7, v16;
	v57 =	vadd.f32 v25, v17  }
0x9b: {  	v58 =	vld [tilespmem:s20+$0x54E0];
	v22 =	vadd.f32 v6, v22;
	v21 =	vadd.f32 v21, v23  }
0x9c: {  	v59 =	vld [tilespmem:s20+$0x54F0];
	v7 =	vadd.f32 v4, v7;
	v6 =	vadd.f32 v5, v57  }
0x9d: {  	v60 =	vld [tilespmem:s20+$0x5560];
	v0 =	vadd.f32 v12, v0;
	v5 =	vadd.f32 v18, v22  }
0x9e: {  	v61 =	vld [tilespmem:s20+$0x5570];
	v4 =	vadd.f32 v20, v21;
	v1 =	vadd.f32 v13, v1  }
0x9f: {  	v62 =	vld [tilespmem:s20+$0x55E0];
	v2 =	vadd.f32 v15, v2;
	v3 =	vadd.f32 v24, v3  }
0xa0: {  	v0 =	vadd.f32 v8, v0;
	v8 =	vld [tilespmem:s20+$0x55F0];
	v1 =	vadd.f32 v9, v1  }
.Ltmp2:
0xa1: {  	v2 =	vadd.f32 v58, v2;
	v3 =	vadd.f32 v59, v3;
	(pc) =	sbr.rel @p1 .LBB2_8-.Ltmp2, $4  }
0xa2: {  	v0 =	vadd.f32 v19, v0;
	v1 =	vadd.f32 v14, v1  }
0xa3: {  	v63 =	vadd.f32 v60, v2;
	v12 =	vadd.f32 v61, v3  }
0xa4: {  	v3 =	vadd.f32 v10, v0;
	v2 =	vadd.f32 v11, v1  }
0xa5: {  	v1 =	vadd.f32 v62, v63;
	v0 =	vadd.f32 v8, v12  }
0xa6: {  	s20 =	smul.u32 $0x150, s19;
	_ =	sdelay $0x1  }
0xa7: {  	s20 =	sadd.s32 s20, s10  }
.Ltmp3:
0xa8: {  	s20 =	sshll.u32 s20, $0x7;
	(pc) =	sbr.rel .LBB2_2-.Ltmp3, $4  }
0xa9: {  	s20 =	sadd.s32 s4, s20  }
0xaa: {  	s20 =	sshrl.u32 s20, $0x3  }
0xab: {  	s19 =	sadd.s32 $0x1, s19;
	s20 =	sadd.s32 s2, s20  }
0xac: {  	[tilespmem:s13], [sflag:$0x2] =	stream.linear.gather [hbm4b:s20+s3], $0x5400, $0x38;
	[tilespmem:$0x14C80] =	vst v63  }
.LBB2_8:
0xad: {  	s19 =	simm.s32 @p0 $0x3  }
0xae: {  	_ =	swait.ge @p0 [sflag:s19], $0x5000  }
0xaf: {  	[sflag:s19] =	ssyncset.done @p0 $0x0  }
0xb0: {  	[sflag:s19] =	ssyncadd.s32 @p0 $0xFFFFB000;
	s19 =	simm.s32 @!p0 $0x3  }
0xb1: {  	_ =	swait.ge @!p0 [sflag:s19], $0x5400  }
0xb2: {  	[sflag:s19] =	ssyncset.done @!p0 $0x0  }
0xb3: {  	[sflag:s19] =	ssyncadd.s32 @!p0 $0xFFFFAC00;
	s19 =	simm.s32 $0x0  }
0xb4: {  	v12 =	vld [tilespmem:s19+$0xA980]  }
0xb5: {  	v13 =	vld [tilespmem:s19+$0xA990]  }
0xb6: {  	v24 =	vld [tilespmem:s19+$0xA9A0]  }
0xb7: {  	v25 =	vld [tilespmem:s19+$0xA9B0]  }
0xb8: {  	v10 =	vld [tilespmem:s19+$0xA9C0]  }
0xb9: {  	v11 =	vld [tilespmem:s19+$0xA9D0]  }
0xba: {  	v15 =	vld [tilespmem:s19+$0xA900]  }
0xbb: {  	v23 =	vld [tilespmem:s19+$0xA910]  }
0xbc: {  	v14 =	vld [tilespmem:s19+$0xA920]  }
0xbd: {  	v21 =	vld [tilespmem:s19+$0xA930]  }
0xbe: {  	v16 =	vld [tilespmem:s19+$0xA940]  }
0xbf: {  	v17 =	vld [tilespmem:s19+$0xA950]  }
0xc0: {  	v8 =	vld [tilespmem:s19+$0xA880]  }
0xc1: {  	v9 =	vld [tilespmem:s19+$0xA890]  }
0xc2: {  	v18 =	vld [tilespmem:s19+$0xA800]  }
0xc3: {  	v19 =	vld [tilespmem:s19+$0xA810]  }
0xc4: {  	v20 =	vld [tilespmem:s19+$0xA820]  }
0xc5: {  	v22 =	vld [tilespmem:s19+$0xA830]  }
0xc6: {  	v26 =	vld [tilespmem:s19+$0xA8A0]  }
0xc7: {  	v27 =	vld [tilespmem:s19+$0xA8B0]  }
0xc8: {  	v34 =	vld [tilespmem:s19+$0xA8C0]  }
0xc9: {  	v35 =	vld [tilespmem:s19+$0xA8D0];
	v18 =	vadd.f32 v18, v7;
	v19 =	vadd.f32 v19, v6  }
0xca: {  	v36 =	vld [tilespmem:s19+$0xA840];
	v20 =	vadd.f32 v20, v5;
	v22 =	vadd.f32 v22, v4  }
0xcb: {  	v28 =	vmov v3;
	v37 =	vld [tilespmem:s19+$0xA850];
	v33 =	vadd.f32 v8, v18;
	v39 =	vadd.f32 v9, v19  }
0xcc: {  	s20 =	simm.s32 $0x800;
	v29 =	vmovc v2;
	v38 =	vld [tilespmem:s19+$0xA860];
	v40 =	vadd.f32 v26, v20;
	v41 =	vadd.f32 v27, v22;
	v26 =	vmovc v1;
	v27 =	vmov v0  }
.LBB2_9:
0xcd: {  	p1 =	sne.s32 s20, $0x14800;
	v8 =	vld [tilespmem:s19+$0xA870];
	v9 =	vadd.f32 v15, v33;
	v15 =	vadd.f32 v23, v39  }
0xce: {  	v18 =	vld [tilespmem:s19+$0xA8E0];
	v14 =	vadd.f32 v14, v40;
	v19 =	vadd.f32 v21, v41  }
0xcf: {  	v20 =	vld [tilespmem:s19+$0xA8F0];
	v9 =	vadd.f32 v12, v9;
	v22 =	vadd.f32 v13, v15  }
0xd0: {  	v15 =	vld [tilespmem:s19+$0xA960];
	v30 =	vadd.f32 v24, v14;
	v19 =	vadd.f32 v25, v19  }
0xd1: {  	v12 =	vadd.f32 v36, v28;
	v13 =	vadd.f32 v37, v29;
	v14 =	vld [tilespmem:s19+$0xA970]  }
0xd2: {  	v21 =	vadd.f32 v38, v26;
	v8 =	vadd.f32 v8, v27;
	v23 =	vld [tilespmem:s19+$0xA9E0]  }
0xd3: {  	v24 =	vadd.f32 v34, v12;
	v25 =	vadd.f32 v35, v13;
	v27 =	vld [tilespmem:s19+$0xA9F0];
	s19 =	sshra.s32 s20, $0x2  }
0xd4: {  	v18 =	vadd.f32 v18, v21;
	v12 =	vld [tilespmem:s19+$0xA980];
	v8 =	vadd.f32 v20, v8  }
0xd5: {  	v16 =	vadd.f32 v16, v24;
	v17 =	vadd.f32 v17, v25;
	v13 =	vld [tilespmem:s19+$0xA990]  }
0xd6: {  	v15 =	vadd.f32 v15, v18;
	v24 =	vld [tilespmem:s19+$0xA9A0];
	v8 =	vadd.f32 v14, v8  }
0xd7: {  	v28 =	vadd.f32 v10, v16;
	v29 =	vadd.f32 v11, v17;
	v25 =	vld [tilespmem:s19+$0xA9B0]  }
0xd8: {  	v26 =	vadd.f32 v23, v15;
	v10 =	vld [tilespmem:s19+$0xA9C0];
	v27 =	vadd.f32 v27, v8  }
0xd9: {  	v11 =	vld [tilespmem:s19+$0xA9D0]  }
0xda: {  	v15 =	vld [tilespmem:s19+$0xA900]  }
0xdb: {  	v23 =	vld [tilespmem:s19+$0xA910]  }
0xdc: {  	v14 =	vld [tilespmem:s19+$0xA920]  }
0xdd: {  	v21 =	vld [tilespmem:s19+$0xA930]  }
0xde: {  	v16 =	vld [tilespmem:s19+$0xA940]  }
0xdf: {  	v17 =	vld [tilespmem:s19+$0xA950]  }
0xe0: {  	v8 =	vld [tilespmem:s19+$0xA880]  }
0xe1: {  	v18 =	vld [tilespmem:s19+$0xA890]  }
0xe2: {  	v20 =	vld [tilespmem:s19+$0xA800]  }
0xe3: {  	v31 =	vld [tilespmem:s19+$0xA810]  }
0xe4: {  	v32 =	vld [tilespmem:s19+$0xA820]  }
0xe5: {  	v33 =	vld [tilespmem:s19+$0xA830]  }
0xe6: {  	v40 =	vld [tilespmem:s19+$0xA8A0]  }
0xe7: {  	v41 =	vld [tilespmem:s19+$0xA8B0]  }
.Ltmp4:
0xe8: {  	v34 =	vld [tilespmem:s19+$0xA8C0];
	(pc) =	sbr.rel @p1 .LBB2_9-.Ltmp4, $4  }
0xe9: {  	v9 =	vadd.f32 v20, v9;
	v20 =	vadd.f32 v31, v22;
	v35 =	vld [tilespmem:s19+$0xA8D0]  }
0xea: {  	v22 =	vadd.f32 v32, v30;
	v19 =	vadd.f32 v33, v19;
	v36 =	vld [tilespmem:s19+$0xA840]  }
0xeb: {  	v33 =	vadd.f32 v8, v9;
	v39 =	vadd.f32 v18, v20;
	v37 =	vld [tilespmem:s19+$0xA850]  }
0xec: {  	s20 =	sadd.s32 $0x800, s20;
	v40 =	vadd.f32 v40, v22;
	v38 =	vld [tilespmem:s19+$0xA860];
	v41 =	vadd.f32 v41, v19  }
0xed: {  	v42 =	vld [tilespmem:s19+$0xA870]  }
0xee: {  	v43 =	vld [tilespmem:s19+$0xA8E0]  }
0xef: {  	v44 =	vld [tilespmem:s19+$0xA8F0]  }
0xf0: {  	v45 =	vld [tilespmem:s19+$0xA960]  }
0xf1: {  	v46 =	vld [tilespmem:s19+$0xA970]  }
0xf2: {  	v47 =	vld [tilespmem:s19+$0xA9E0]  }
0xf3: {  	v48 =	vld [tilespmem:s19+$0xA9F0];
	s19 =	simm.s32 $0x0  }
0xf4: {  	v18 =	vld [tilespmem:s19+$0xFD80]  }
0xf5: {  	v19 =	vld [tilespmem:s19+$0xFD90]  }
0xf6: {  	v20 =	vld [tilespmem:s19+$0xFDA0]  }
0xf7: {  	v22 =	vld [tilespmem:s19+$0xFDB0]  }
0xf8: {  	v8 =	vld [tilespmem:s19+$0xFDC0]  }
0xf9: {  	v9 =	vld [tilespmem:s19+$0xFDD0]  }
0xfa: {  	v31 =	vld [tilespmem:s19+$0xFD00]  }
0xfb: {  	v32 =	vld [tilespmem:s19+$0xFD10]  }
0xfc: {  	v15 =	vadd.f32 v15, v33;
	v30 =	vld [tilespmem:s19+$0xFD20]  }
0xfd: {  	v23 =	vadd.f32 v23, v39;
	v33 =	vld [tilespmem:s19+$0xFD30];
	v57 =	vadd.f32 v14, v40  }
0xfe: {  	v58 =	vadd.f32 v21, v41;
	v21 =	vld [tilespmem:s19+$0xFD40];
	v15 =	vadd.f32 v12, v15  }
0xff: {  	v59 =	vld [tilespmem:s19+$0xFC00];
	v14 =	vadd.f32 v13, v23;
	v13 =	vadd.f32 v24, v57  }
0x100: {  	v60 =	vld [tilespmem:s19+$0xFC10];
	v12 =	vadd.f32 v25, v58;
	v24 =	vadd.f32 v36, v28  }
0x101: {  	v25 =	vld [tilespmem:s19+$0xFC80];
	v28 =	vadd.f32 v37, v29;
	v26 =	vadd.f32 v38, v26  }
0x102: {  	v61 =	vld [tilespmem:s19+$0xFC20];
	v27 =	vadd.f32 v42, v27;
	v24 =	vadd.f32 v34, v24  }
0x103: {  	v62 =	vld [tilespmem:s19+$0xFCA0];
	v28 =	vadd.f32 v35, v28;
	v26 =	vadd.f32 v43, v26  }
0x104: {  	v63 =	vld [tilespmem:s19+$0xFCB0];
	v7 =	vadd.f32 v59, v7;
	v27 =	vadd.f32 v44, v27  }
0x105: {  	v16 =	vadd.f32 v16, v24;
	v24 =	vadd.f32 v17, v28;
	v28 =	vld [tilespmem:s19+$0xFC30]  }
0x106: {  	v29 =	vld [tilespmem:s19+$0xFC90];
	v26 =	vadd.f32 v45, v26;
	v25 =	vadd.f32 v25, v7  }
0x107: {  	v23 =	vld [tilespmem:s19+$0xFD50];
	v27 =	vadd.f32 v46, v27;
	v17 =	vadd.f32 v10, v16  }
0x108: {  	v7 =	vld [tilespmem:s19+$0xFC60];
	v11 =	vadd.f32 v11, v24;
	v16 =	vadd.f32 v47, v26  }
0x109: {  	v24 =	vld [tilespmem:s19+$0xFCC0];
	v26 =	vadd.f32 v60, v6;
	v10 =	vadd.f32 v48, v27  }
0x10a: {  	v6 =	vld [tilespmem:s19+$0xFCD0];
	v27 =	vadd.f32 v61, v5;
	v28 =	vadd.f32 v28, v4  }
0x10b: {  	v5 =	vld [tilespmem:s19+$0xFC40];
	v26 =	vadd.f32 v29, v26  }
0x10c: {  	s20 =	simm.s32 $0x800;
	v4 =	vld [tilespmem:s19+$0xFC50];
	v27 =	vadd.f32 v62, v27;
	v28 =	vadd.f32 v63, v28  }
.LBB2_11:
0x10d: {  	p1 =	sne.s32 s20, $0x13800;
	v29 =	vld [tilespmem:s19+$0xFC70];
	v25 =	vadd.f32 v31, v25;
	v26 =	vadd.f32 v32, v26  }
0x10e: {  	v31 =	vld [tilespmem:s19+$0xFCE0];
	v27 =	vadd.f32 v30, v27;
	v28 =	vadd.f32 v33, v28  }
0x10f: {  	v30 =	vld [tilespmem:s19+$0xFCF0];
	v25 =	vadd.f32 v18, v25;
	v26 =	vadd.f32 v19, v26  }
0x110: {  	v32 =	vld [tilespmem:s19+$0xFD60];
	v27 =	vadd.f32 v20, v27;
	v28 =	vadd.f32 v22, v28  }
0x111: {  	v3 =	vadd.f32 v5, v3;
	v2 =	vadd.f32 v4, v2;
	v4 =	vld [tilespmem:s19+$0xFD70]  }
0x112: {  	v1 =	vadd.f32 v7, v1;
	v0 =	vadd.f32 v29, v0;
	v5 =	vld [tilespmem:s19+$0xFDE0]  }
0x113: {  	v3 =	vadd.f32 v24, v3;
	v2 =	vadd.f32 v6, v2;
	v6 =	vld [tilespmem:s19+$0xFDF0];
	s19 =	sshra.s32 s20, $0x2  }
0x114: {  	v1 =	vadd.f32 v31, v1;
	v18 =	vld [tilespmem:s19+$0xFD80];
	v0 =	vadd.f32 v30, v0  }
0x115: {  	v3 =	vadd.f32 v21, v3;
	v2 =	vadd.f32 v23, v2;
	v19 =	vld [tilespmem:s19+$0xFD90]  }
0x116: {  	v1 =	vadd.f32 v32, v1;
	v20 =	vld [tilespmem:s19+$0xFDA0];
	v0 =	vadd.f32 v4, v0  }
0x117: {  	v3 =	vadd.f32 v8, v3;
	v2 =	vadd.f32 v9, v2;
	v22 =	vld [tilespmem:s19+$0xFDB0]  }
0x118: {  	v1 =	vadd.f32 v5, v1;
	v8 =	vld [tilespmem:s19+$0xFDC0];
	v0 =	vadd.f32 v6, v0  }
0x119: {  	v9 =	vld [tilespmem:s19+$0xFDD0]  }
0x11a: {  	v31 =	vld [tilespmem:s19+$0xFD00]  }
0x11b: {  	v32 =	vld [tilespmem:s19+$0xFD10]  }
0x11c: {  	v30 =	vld [tilespmem:s19+$0xFD20]  }
0x11d: {  	v33 =	vld [tilespmem:s19+$0xFD30]  }
0x11e: {  	v21 =	vld [tilespmem:s19+$0xFD40]  }
0x11f: {  	v23 =	vld [tilespmem:s19+$0xFD50]  }
0x120: {  	v7 =	vld [tilespmem:s19+$0xFC80]  }
0x121: {  	v29 =	vld [tilespmem:s19+$0xFC90]  }
0x122: {  	v4 =	vld [tilespmem:s19+$0xFC00]  }
0x123: {  	v5 =	vld [tilespmem:s19+$0xFC10]  }
0x124: {  	v34 =	vld [tilespmem:s19+$0xFC20]  }
0x125: {  	v35 =	vld [tilespmem:s19+$0xFC30]  }
0x126: {  	v36 =	vld [tilespmem:s19+$0xFCA0]  }
0x127: {  	v37 =	vld [tilespmem:s19+$0xFCB0]  }
.Ltmp5:
0x128: {  	v24 =	vld [tilespmem:s19+$0xFCC0];
	(pc) =	sbr.rel @p1 .LBB2_11-.Ltmp5, $4  }
0x129: {  	v25 =	vadd.f32 v4, v25;
	v26 =	vadd.f32 v5, v26;
	v6 =	vld [tilespmem:s19+$0xFCD0]  }
0x12a: {  	v27 =	vadd.f32 v34, v27;
	v28 =	vadd.f32 v35, v28;
	v5 =	vld [tilespmem:s19+$0xFC40]  }
0x12b: {  	v25 =	vadd.f32 v7, v25;
	v26 =	vadd.f32 v29, v26;
	v4 =	vld [tilespmem:s19+$0xFC50]  }
0x12c: {  	s20 =	sadd.s32 $0x800, s20;
	v27 =	vadd.f32 v36, v27;
	v7 =	vld [tilespmem:s19+$0xFC60];
	v28 =	vadd.f32 v37, v28  }
0x12d: {  	v25 =	vadd.f32 v31, v25;
	v26 =	vadd.f32 v32, v26  }
0x12e: {  	v29 =	vld [tilespmem:s19+$0xFC70];
	v27 =	vadd.f32 v30, v27;
	v28 =	vadd.f32 v33, v28  }
0x12f: {  	v56 =	vld [tilespmem:s19+$0xFCE0];
	v18 =	vadd.f32 v18, v25;
	v19 =	vadd.f32 v19, v26  }
0x130: {  	v57 =	vld [tilespmem:s19+$0xFCF0];
	v3 =	vadd.f32 v5, v3;
	v20 =	vadd.f32 v20, v27  }
0x131: {  	v58 =	vld [tilespmem:s19+$0xFD60];
	v22 =	vadd.f32 v22, v28;
	v2 =	vadd.f32 v4, v2  }
0x132: {  	v59 =	vld [tilespmem:s19+$0xFD70];
	v1 =	vadd.f32 v7, v1;
	v3 =	vadd.f32 v24, v3  }
0x133: {  	v60 =	vld [tilespmem:s19+$0xFDE0];
	v0 =	vadd.f32 v29, v0;
	v2 =	vadd.f32 v6, v2  }
0x134: {  	v61 =	vld [tilespmem:s19+$0xFDF0];
	v15 =	vpsel p0, v18, v15;
	v1 =	vadd.f32 v56, v1;
	v3 =	vadd.f32 v21, v3  }
0x135: {  	v14 =	vpsel p0, v19, v14;
	[tilespmem:$0x14C00] =	vst v15;
	v0 =	vadd.f32 v57, v0;
	v2 =	vadd.f32 v23, v2  }
0x136: {  	v62 =	vpsel p0, v20, v13;
	[tilespmem:$0x14C10] =	vst v14;
	v1 =	vadd.f32 v58, v1;
	v3 =	vadd.f32 v8, v3  }
0x137: {  	v63 =	vpsel p0, v22, v12;
	[tilespmem:$0x14C20] =	vst v62;
	v0 =	vadd.f32 v59, v0;
	v2 =	vadd.f32 v9, v2  }
0x138: {  	[tilespmem:$0x14C30] =	vst v63;
	v1 =	vadd.f32 v60, v1;
	v3 =	vpsel p0, v3, v17  }
0x139: {  	v0 =	vadd.f32 v61, v0;
	v2 =	vpsel p0, v2, v11;
	[tilespmem:$0x14C40] =	vst v3  }
0x13a: {  	s18 =	sadd.s32 $0x1, s18;
	v1 =	vpsel p0, v1, v16;
	[tilespmem:$0x14C50] =	vst v2  }
0x13b: {  	p1 =	sne.s32 s18, s12;
	v0 =	vpsel p0, v0, v10;
	[tilespmem:$0x14C60] =	vst v1  }
.Ltmp6:
0x13c: {  	[tilespmem:$0x14C70] =	vst v0;
	(pc) =	sbr.rel @p1 .LBB2_1-.Ltmp6, $4  }
0x13d: {  	[hbm4b:s11+s3] =	stream.linear.scatter [tilespmem:s16], [sflag:$0x4], $0x80, $0x38;
	[tilespmem:$0x14C80] =	vst v63  }
0x13e: {  	_ =	swait.ge [sflag:s17], $0x80  }
0x13f: {  	[sflag:s17] =	ssyncset.done $0x0  }
0x140: {  	[sflag:s17] =	ssyncadd.s32 $0xFFFFFF80  }
0x141: {  	_ =	sfence.sel $0x180000  }
0x142: {  	[bflag:$0x0] =	sbarrier.arrive $0xFFFF  }
0x143: {  	p0 =	sne.s32 s1, $0x0;
	_ =	strace $0x90000047  }
0x144: {  	s0 =	sadd.s32 @!p0 $0x100000, s0;
	[bflag:$0x2] =	sbarrier.arrive $0xFFFF  }
0x145: {  	[sflag:s0] =	ssyncadd.tile.s32 @!p0 $0x1;
	_ =	shalt  }
.Lfunc_end2:
_tile_overlayer_lowered:
.L_overlay_start_2:
0x146: {  	(tag) =	ssettag $0x2  }
0x147: {  	s0 =	rddreg [dreg:$0x0];
	s2 =	stileid.u32  }
0x148: {  	s1 =	rddreg [dreg:$0x1];
	p0 =	sne.s32 s2, $0x0  }
0x149: {  	s3 =	rddreg [dreg:$0x2];
	[bflag:$0x3] =	sbarrier.arrive $0xFFFF;
	s2 =	simm.s32 @!p0 $0x1C04  }
0x14a: {  	[timem:s3], [sflag:s2] =	dma.local @!p0 [hbm:s0], s1  }
0x14b: {  	s0 =	simm.s32 @!p0 $0x4  }
0x14c: {  	_ =	swait.ge @!p0 [sflag:s0], s1  }
0x14d: {  	s1 =	ssub.s32 @!p0 $0x0, s1;
	[sflag:s0] =	ssyncset.done @!p0 $0x0  }
0x14e: {  	[sflag:s0] =	ssyncadd.s32 @!p0 s1  }
0x14f: {  	[bflag:$0x3] =	sbarrier.arrive $0xFFFF  }
0x150: {  	_ =	shalt  }

</sc_bundles>
